<compile_context>
chip_gen: v7x
topology: tpu7x:2x2x1
jax: 0.10.2.dev20260603
libtpu: 0.0.44.dev20260713+nightly
codegen_flags: <defaults>
</compile_context>

<pallas_src>
import functools

import jax
import jax.numpy as jnp
from jax import lax
from jax.experimental import pallas as pl
from jax.experimental.pallas import tpu as pltpu
from jax.experimental.pallas import tpu_sc as plsc

BATCH = 16384
VOCAB = 100000
EMBED_DIM = 64
N_FEATS = 32
OUT_W = EMBED_DIM + N_FEATS
NC, NS, L = 2, 16, 16
NW = NC * NS
DPW = EMBED_DIM // NW
OCH = 4096
NCH = BATCH // OCH
SLICE = BATCH // NS
UNROLL = 8


def kernel(x, W):
  mesh = plsc.VectorSubcoreMesh(
      core_axis_name="c", subcore_axis_name="s", num_cores=NC, num_subcores=NS
  )

  @functools.partial(
      pl.kernel,
      out_type=jax.ShapeDtypeStruct((OUT_W, BATCH), jnp.float32),
      mesh=mesh,
      scratch_types=[
          pltpu.VMEM((VOCAB,), jnp.float32),
          pltpu.VMEM((BATCH,), jnp.int32),
          pltpu.VMEM((2, OCH), jnp.float32),
          pltpu.VMEM_SHARED((BATCH,), jnp.int32),
          pltpu.SemaphoreType.DMA,
          pltpu.SemaphoreType.DMA,
          pltpu.SemaphoreType.DMA,
          pltpu.SemaphoreType.DMA,
          pltpu.SemaphoreType.DMA,
      ],
      compiler_params=pltpu.CompilerParams(needs_layout_passes=False),
  )
  def k(xt_hbm, wt_hbm, out_hbm, w_row, ids_v, ob_v, ids_sh,
        sem_w, sem_ra, sem_rb, sem_wa, sem_wb):
    rsems = [sem_ra, sem_rb]
    wsems = [sem_wa, sem_wb]
    cid = lax.axis_index("c")
    sid = lax.axis_index("s")
    wid = sid * NC + cid
    d0 = wid * DPW

    w_copy = pltpu.async_copy(wt_hbm.at[d0], w_row, sem_w)

    pltpu.sync_copy(xt_hbm.at[0, pl.ds(sid * SLICE, SLICE)],
                    ob_v.at[0, pl.ds(0, SLICE)])

    @plsc.parallel_loop(0, SLICE, step=L, unroll=UNROLL)
    def conv(i):
      ids_v[pl.ds(i, L)] = ob_v[0, pl.ds(i, L)].astype(jnp.int32)

    pltpu.sync_copy(ids_v.at[pl.ds(0, SLICE)],
                    ids_sh.at[pl.ds(sid * SLICE, SLICE)])
    plsc.subcore_barrier()
    pltpu.sync_copy(ids_sh, ids_v)

    writes = {}
    for h in range(NCH):
      pltpu.async_copy(
          xt_hbm.at[1 + wid, pl.ds(h * OCH, OCH)], ob_v.at[h % 2],
          rsems[h % 2]).wait()
      writes[h] = pltpu.async_copy(
          ob_v.at[h % 2], out_hbm.at[EMBED_DIM + wid, pl.ds(h * OCH, OCH)],
          wsems[h % 2])
      if h >= 1:
        writes.pop(h - 1).wait()
    writes.pop(NCH - 1).wait()

    for t in range(DPW):
      d = d0 + t
      w_copy.wait()
      for h in range(NCH):
        g = t * NCH + h
        if g >= 2:
          writes.pop(g - 2).wait()

        @plsc.parallel_loop(0, OCH, step=L, unroll=UNROLL)
        def body(i):
          idx = ids_v[pl.ds(h * OCH + i, L)]
          ob_v[g % 2, pl.ds(i, L)] = plsc.load_gather(w_row, [idx])

        if h == NCH - 1 and t + 1 < DPW:
          w_copy = pltpu.async_copy(wt_hbm.at[d + 1], w_row, sem_w)
        writes[g] = pltpu.async_copy(
            ob_v.at[g % 2], out_hbm.at[d, pl.ds(h * OCH, OCH)], wsems[g % 2])
    writes.pop(DPW * NCH - 2).wait()
    writes.pop(DPW * NCH - 1).wait()

  out_t = k(x.T, W.T)
  return out_t.T

# --- scband reference (transcript-rebuilt; emitter-appended) ---
"""Pipeline reference for scband-embed-stations-58076547777064 (READ-ONLY COPY).

The authoritative reference and input builder live on the scoring server;
editing this copy changes nothing except your own understanding.
"""

import jax, jax.numpy as jnp
import numpy as np

BATCH = 16384
VOCAB = 100000
EMBED_DIM = 64
N_FEATS = 32

def setup_inputs(seed: int = 0) -> dict:
    key = jax.random.key(seed)
    k1, k2, k3 = jax.random.split(key, 3)
    # column 0 holds integer station ids stored as float (as in the torch module)
    ids = jax.random.randint(k1, (BATCH,), 0, VOCAB).astype(jnp.float32)
    feats = jax.random.normal(k2, (BATCH, N_FEATS), dtype=jnp.float32)
    x = jnp.concatenate([ids[:, None], feats], axis=1)  # [BATCH, 1 + N_FEATS]
    # embedding table parameter
    W = jax.random.normal(k3, (VOCAB, EMBED_DIM), dtype=jnp.float32) * 0.02
    return {"x": x, "W": W}

def reference(x, W):
    # station_ids = x[:, 0].long()
    station_ids = x[:, 0].astype(jnp.int32)
    # emb_station = self.embed(station_ids)
    emb_station = jnp.take(W, station_ids, axis=0)
    # x = torch.cat((emb_station, x[:, 1:]), dim=1)
    out = jnp.concatenate([emb_station, x[:, 1:]], axis=1)
    return out

if __name__ == "__main__":
    import jax
    _d = setup_inputs()
    print(jax.jit(kernel)(*tuple(_d.values())))

</pallas_src>

<mosaic_0001>
#map = affine_map<(d0, d1) -> (0, 0)>
module attributes {stable_mosaic.version = 14 : i64} {
  func.func @k(%arg0: i32, %arg1: i32, %arg2: memref<33x16384xf32, #tpu.memory_space<hbm>>, %arg3: memref<64x100000xf32, #tpu.memory_space<hbm>>, %arg4: memref<96x16384xf32, #tpu.memory_space<hbm>>, %arg5: memref<100000xf32, #tpu.memory_space<vmem>>, %arg6: memref<16384xi32, #tpu.memory_space<vmem>>, %arg7: memref<2x4096xf32, #tpu.memory_space<vmem>>, %arg8: memref<16384xi32, #tpu.memory_space<vmem_shared>>, %arg9: memref<!tpu.dma_semaphore, #tpu.memory_space<semaphore_mem>>, %arg10: memref<!tpu.dma_semaphore, #tpu.memory_space<semaphore_mem>>, %arg11: memref<!tpu.dma_semaphore, #tpu.memory_space<semaphore_mem>>, %arg12: memref<!tpu.dma_semaphore, #tpu.memory_space<semaphore_mem>>, %arg13: memref<!tpu.dma_semaphore, #tpu.memory_space<semaphore_mem>>) attributes {dimension_semantics = [#tpu.dimension_semantics<core_parallel>, #tpu.dimension_semantics<subcore_parallel>], iteration_bounds = array<i64: 2, 16>, scalar_prefetch = 0 : i64, scratch_operands = 9 : i64, tpu.core_type = #tpu.core_type<sc_vector_subcore>, window_params = [{transform_indices = #map}, {transform_indices = #map}, {transform_indices = #map}]} {
    %mul3A = arith.constant 2 : i32
    %mul3A_0 = arith.muli %arg1, %mul3A : i32
    %add3A = arith.addi %mul3A_0, %arg0 : i32
    %mul3A_1 = arith.constant 2 : i32
    %mul3A_2 = arith.muli %add3A, %mul3A_1 : i32
    %dma_start3A = arith.constant 0 : i32
    %dma_start3A_3 = tpu.memref_slice %arg3[%mul3A_2, %dma_start3A] : memref<64x100000xf32, #tpu.memory_space<hbm>> -> memref<1x100000xf32, #tpu.memory_space<hbm>>
    %dma_start3A_4 = tpu.memref_squeeze %dma_start3A_3 : memref<1x100000xf32, #tpu.memory_space<hbm>> -> memref<100000xf32, #tpu.memory_space<hbm>>
    %dma_start3A_5 = arith.constant 0 : i32
    %dma_start3A_6 = tpu.memref_slice %arg3[%mul3A_2, %dma_start3A_5] : memref<64x100000xf32, #tpu.memory_space<hbm>> -> memref<1x100000xf32, #tpu.memory_space<hbm>>
    %dma_start3A_7 = tpu.memref_squeeze %dma_start3A_6 : memref<1x100000xf32, #tpu.memory_space<hbm>> -> memref<100000xf32, #tpu.memory_space<hbm>>
    tpu.enqueue_dma source(%dma_start3A_7 : memref<100000xf32, #tpu.memory_space<hbm>>) target(%arg5 : memref<100000xf32, #tpu.memory_space<vmem>>) target_semaphore(%arg9 : memref<!tpu.dma_semaphore, #tpu.memory_space<semaphore_mem>>)
    %mul3A_8 = arith.constant 1024 : i32
    %mul3A_9 = arith.muli %arg1, %mul3A_8 : i32
    %run_scoped3A = arith.constant 0 : i32
    %run_scoped3A_10 = arith.constant 0 : i32
    "tpu.region"() ({
      %run_scoped3A_494 = tpu.sem_alloc : memref<!tpu.dma_semaphore, #tpu.memory_space<semaphore_mem>>
      %dma_start3A_495 = arith.constant 0 : i32
      %dma_start3A_496 = tpu.memref_slice %arg7[%run_scoped3A_10, %dma_start3A_495] : memref<2x4096xf32, #tpu.memory_space<vmem>> -> memref<1x1024xf32, #tpu.memory_space<vmem>>
      %dma_start3A_497 = tpu.memref_squeeze %dma_start3A_496 : memref<1x1024xf32, #tpu.memory_space<vmem>> -> memref<1024xf32, #tpu.memory_space<vmem>>
      %dma_start3A_498 = tpu.memref_slice %arg2[%run_scoped3A, %mul3A_9] : memref<33x16384xf32, #tpu.memory_space<hbm>> -> memref<1x1024xf32, #tpu.memory_space<hbm>>
      %dma_start3A_499 = tpu.memref_squeeze %dma_start3A_498 : memref<1x1024xf32, #tpu.memory_space<hbm>> -> memref<1024xf32, #tpu.memory_space<hbm>>
      %dma_start3A_500 = arith.constant 0 : i32
      %dma_start3A_501 = tpu.memref_slice %arg7[%run_scoped3A_10, %dma_start3A_500] : memref<2x4096xf32, #tpu.memory_space<vmem>> -> memref<1x1024xf32, #tpu.memory_space<vmem>>
      %dma_start3A_502 = tpu.memref_squeeze %dma_start3A_501 : memref<1x1024xf32, #tpu.memory_space<vmem>> -> memref<1024xf32, #tpu.memory_space<vmem>>
      %dma_start3A_503 = tpu.memref_slice %arg2[%run_scoped3A, %mul3A_9] : memref<33x16384xf32, #tpu.memory_space<hbm>> -> memref<1x1024xf32, #tpu.memory_space<hbm>>
      %dma_start3A_504 = tpu.memref_squeeze %dma_start3A_503 : memref<1x1024xf32, #tpu.memory_space<hbm>> -> memref<1024xf32, #tpu.memory_space<hbm>>
      tpu.enqueue_dma source(%dma_start3A_504 : memref<1024xf32, #tpu.memory_space<hbm>>) target(%dma_start3A_502 : memref<1024xf32, #tpu.memory_space<vmem>>) target_semaphore(%run_scoped3A_494 : memref<!tpu.dma_semaphore, #tpu.memory_space<semaphore_mem>>)
      %dma_wait3A_505 = arith.constant 0 : i32
      %dma_wait3A_506 = tpu.memref_slice %arg7[%run_scoped3A_10, %dma_wait3A_505] : memref<2x4096xf32, #tpu.memory_space<vmem>> -> memref<1x1024xf32, #tpu.memory_space<vmem>>
      %dma_wait3A_507 = tpu.memref_squeeze %dma_wait3A_506 : memref<1x1024xf32, #tpu.memory_space<vmem>> -> memref<1024xf32, #tpu.memory_space<vmem>>
      %dma_wait3A_508 = tpu.memref_slice %arg2[%run_scoped3A, %mul3A_9] : memref<33x16384xf32, #tpu.memory_space<hbm>> -> memref<1x1024xf32, #tpu.memory_space<hbm>>
      %dma_wait3A_509 = tpu.memref_squeeze %dma_wait3A_508 : memref<1x1024xf32, #tpu.memory_space<hbm>> -> memref<1024xf32, #tpu.memory_space<hbm>>
      %dma_wait3A_510 = arith.constant 0 : i32
      %dma_wait3A_511 = tpu.memref_slice %arg7[%run_scoped3A_10, %dma_wait3A_510] : memref<2x4096xf32, #tpu.memory_space<vmem>> -> memref<1x1024xf32, #tpu.memory_space<vmem>>
      %dma_wait3A_512 = tpu.memref_squeeze %dma_wait3A_511 : memref<1x1024xf32, #tpu.memory_space<vmem>> -> memref<1024xf32, #tpu.memory_space<vmem>>
      %dma_wait3A_513 = tpu.memref_slice %arg2[%run_scoped3A, %mul3A_9] : memref<33x16384xf32, #tpu.memory_space<hbm>> -> memref<1x1024xf32, #tpu.memory_space<hbm>>
      %dma_wait3A_514 = tpu.memref_squeeze %dma_wait3A_513 : memref<1x1024xf32, #tpu.memory_space<hbm>> -> memref<1024xf32, #tpu.memory_space<hbm>>
      tpu.wait_dma2 semaphore(%run_scoped3A_494 : memref<!tpu.dma_semaphore, #tpu.memory_space<semaphore_mem>>) src(%dma_wait3A_514 : memref<1024xf32, #tpu.memory_space<hbm>>) dst(%dma_wait3A_512 : memref<1024xf32, #tpu.memory_space<vmem>>)
      tpu.yield
    }) : () -> ()
    %parallel_loop3A = arith.constant 0 : i32
    %parallel_loop3A_11 = arith.constant 1024 : i32
    %parallel_loop3A_12 = arith.constant 16 : i32
    scf.for %parallel_loop3A_494 = %parallel_loop3A to %parallel_loop3A_11 step %parallel_loop3A_12  : i32 {
      %parallel_loop3A_495 = arith.constant 0 : i32
      %parallel_loop3A_496 = arith.index_cast %parallel_loop3A_495 : i32 to index
      %parallel_loop3A_497 = arith.index_cast %parallel_loop3A_494 : i32 to index
      %parallel_loop3A_498 = tpu.vector_load %arg7[%parallel_loop3A_496, %parallel_loop3A_497] {strides = array<i32>} : memref<2x4096xf32, #tpu.memory_space<vmem>>, vector<16xf32>,
      %parallel_loop3A_499 = arith.fptosi %parallel_loop3A_498 : vector<16xf32> to vector<16xi32>
      %parallel_loop3A_500 = arith.index_cast %parallel_loop3A_494 : i32 to index
      %parallel_loop3A_501 = tpu.vector_load %arg6[%parallel_loop3A_500] {strides = array<i32>} : memref<16384xi32, #tpu.memory_space<vmem>>, vector<16xi32>,
      tpu.vector_store %arg6[%parallel_loop3A_500], %parallel_loop3A_499 {strides = array<i32>} : memref<16384xi32, #tpu.memory_space<vmem>>, vector<16xi32>,
    } {sc.loop_unroll_factor = 8 : i64, sc.parallel_access}
    %mul3A_13 = arith.constant 1024 : i32
    %mul3A_14 = arith.muli %arg1, %mul3A_13 : i32
    "tpu.region"() ({
      %run_scoped3A_494 = tpu.sem_alloc : memref<!tpu.dma_semaphore, #tpu.memory_space<semaphore_mem>>
      %dma_start3A_495 = arith.constant 0 : i32
      %dma_start3A_496 = tpu.memref_slice %arg6[%dma_start3A_495] : memref<16384xi32, #tpu.memory_space<vmem>> -> memref<1024xi32, #tpu.memory_space<vmem>>
      %dma_start3A_497 = tpu.memref_slice %arg8[%mul3A_14] : memref<16384xi32, #tpu.memory_space<vmem_shared>> -> memref<1024xi32, #tpu.memory_space<vmem_shared>>
      %dma_start3A_498 = tpu.memref_slice %arg8[%mul3A_14] : memref<16384xi32, #tpu.memory_space<vmem_shared>> -> memref<1024xi32, #tpu.memory_space<vmem_shared>>
      %dma_start3A_499 = arith.constant 0 : i32
      %dma_start3A_500 = tpu.memref_slice %arg6[%dma_start3A_499] : memref<16384xi32, #tpu.memory_space<vmem>> -> memref<1024xi32, #tpu.memory_space<vmem>>
      tpu.enqueue_dma source(%dma_start3A_500 : memref<1024xi32, #tpu.memory_space<vmem>>) target(%dma_start3A_498 : memref<1024xi32, #tpu.memory_space<vmem_shared>>) target_semaphore(%run_scoped3A_494 : memref<!tpu.dma_semaphore, #tpu.memory_space<semaphore_mem>>)
      %dma_wait3A_501 = arith.constant 0 : i32
      %dma_wait3A_502 = tpu.memref_slice %arg6[%dma_wait3A_501] : memref<16384xi32, #tpu.memory_space<vmem>> -> memref<1024xi32, #tpu.memory_space<vmem>>
      %dma_wait3A_503 = tpu.memref_slice %arg8[%mul3A_14] : memref<16384xi32, #tpu.memory_space<vmem_shared>> -> memref<1024xi32, #tpu.memory_space<vmem_shared>>
      %dma_wait3A_504 = tpu.memref_slice %arg8[%mul3A_14] : memref<16384xi32, #tpu.memory_space<vmem_shared>> -> memref<1024xi32, #tpu.memory_space<vmem_shared>>
      %dma_wait3A_505 = arith.constant 0 : i32
      %dma_wait3A_506 = tpu.memref_slice %arg6[%dma_wait3A_505] : memref<16384xi32, #tpu.memory_space<vmem>> -> memref<1024xi32, #tpu.memory_space<vmem>>
      tpu.wait_dma2 semaphore(%run_scoped3A_494 : memref<!tpu.dma_semaphore, #tpu.memory_space<semaphore_mem>>) src(%dma_wait3A_506 : memref<1024xi32, #tpu.memory_space<vmem>>) dst(%dma_wait3A_504 : memref<1024xi32, #tpu.memory_space<vmem_shared>>)
      tpu.yield
    }) : () -> ()
    %barrier3A = arith.constant 0 : index
    tpu.barrier barrier_id(%barrier3A)
    "tpu.region"() ({
      %run_scoped3A_494 = tpu.sem_alloc : memref<!tpu.dma_semaphore, #tpu.memory_space<semaphore_mem>>
      tpu.enqueue_dma source(%arg8 : memref<16384xi32, #tpu.memory_space<vmem_shared>>) target(%arg6 : memref<16384xi32, #tpu.memory_space<vmem>>) target_semaphore(%run_scoped3A_494 : memref<!tpu.dma_semaphore, #tpu.memory_space<semaphore_mem>>)
      tpu.wait_dma2 semaphore(%run_scoped3A_494 : memref<!tpu.dma_semaphore, #tpu.memory_space<semaphore_mem>>) src(%arg8 : memref<16384xi32, #tpu.memory_space<vmem_shared>>) dst(%arg6 : memref<16384xi32, #tpu.memory_space<vmem>>)
      tpu.yield
    }) : () -> ()
    %add3A_15 = arith.constant 1 : i32
    %add3A_16 = arith.addi %add3A_15, %add3A : i32
    %dma_start3A_17 = arith.constant 0 : i32
    %dma_start3A_18 = arith.constant 0 : i32
    %dma_start3A_19 = tpu.memref_slice %arg7[%dma_start3A_17, %dma_start3A_18] : memref<2x4096xf32, #tpu.memory_space<vmem>> -> memref<1x4096xf32, #tpu.memory_space<vmem>>
    %dma_start3A_20 = tpu.memref_squeeze %dma_start3A_19 : memref<1x4096xf32, #tpu.memory_space<vmem>> -> memref<4096xf32, #tpu.memory_space<vmem>>
    %dma_start3A_21 = arith.constant 0 : i32
    %dma_start3A_22 = tpu.memref_slice %arg2[%add3A_16, %dma_start3A_21] : memref<33x16384xf32, #tpu.memory_space<hbm>> -> memref<1x4096xf32, #tpu.memory_space<hbm>>
    %dma_start3A_23 = tpu.memref_squeeze %dma_start3A_22 : memref<1x4096xf32, #tpu.memory_space<hbm>> -> memref<4096xf32, #tpu.memory_space<hbm>>
    %dma_start3A_24 = arith.constant 0 : i32
    %dma_start3A_25 = tpu.memref_slice %arg7[%dma_start3A_17, %dma_start3A_24] : memref<2x4096xf32, #tpu.memory_space<vmem>> -> memref<1x4096xf32, #tpu.memory_space<vmem>>
    %dma_start3A_26 = tpu.memref_squeeze %dma_start3A_25 : memref<1x4096xf32, #tpu.memory_space<vmem>> -> memref<4096xf32, #tpu.memory_space<vmem>>
    %dma_start3A_27 = arith.constant 0 : i32
    %dma_start3A_28 = tpu.memref_slice %arg2[%add3A_16, %dma_start3A_27] : memref<33x16384xf32, #tpu.memory_space<hbm>> -> memref<1x4096xf32, #tpu.memory_space<hbm>>
    %dma_start3A_29 = tpu.memref_squeeze %dma_start3A_28 : memref<1x4096xf32, #tpu.memory_space<hbm>> -> memref<4096xf32, #tpu.memory_space<hbm>>
    tpu.enqueue_dma source(%dma_start3A_29 : memref<4096xf32, #tpu.memory_space<hbm>>) target(%dma_start3A_26 : memref<4096xf32, #tpu.memory_space<vmem>>) target_semaphore(%arg10 : memref<!tpu.dma_semaphore, #tpu.memory_space<semaphore_mem>>)
    %dma_wait3A = arith.constant 0 : i32
    %dma_wait3A_30 = arith.constant 0 : i32
    %dma_wait3A_31 = tpu.memref_slice %arg7[%dma_wait3A, %dma_wait3A_30] : memref<2x4096xf32, #tpu.memory_space<vmem>> -> memref<1x4096xf32, #tpu.memory_space<vmem>>
    %dma_wait3A_32 = tpu.memref_squeeze %dma_wait3A_31 : memref<1x4096xf32, #tpu.memory_space<vmem>> -> memref<4096xf32, #tpu.memory_space<vmem>>
    %dma_wait3A_33 = arith.constant 0 : i32
    %dma_wait3A_34 = tpu.memref_slice %arg2[%add3A_16, %dma_wait3A_33] : memref<33x16384xf32, #tpu.memory_space<hbm>> -> memref<1x4096xf32, #tpu.memory_space<hbm>>
    %dma_wait3A_35 = tpu.memref_squeeze %dma_wait3A_34 : memref<1x4096xf32, #tpu.memory_space<hbm>> -> memref<4096xf32, #tpu.memory_space<hbm>>
    %dma_wait3A_36 = arith.constant 0 : i32
    %dma_wait3A_37 = tpu.memref_slice %arg7[%dma_wait3A, %dma_wait3A_36] : memref<2x4096xf32, #tpu.memory_space<vmem>> -> memref<1x4096xf32, #tpu.memory_space<vmem>>
    %dma_wait3A_38 = tpu.memref_squeeze %dma_wait3A_37 : memref<1x4096xf32, #tpu.memory_space<vmem>> -> memref<4096xf32, #tpu.memory_space<vmem>>
    %dma_wait3A_39 = arith.constant 0 : i32
    %dma_wait3A_40 = tpu.memref_slice %arg2[%add3A_16, %dma_wait3A_39] : memref<33x16384xf32, #tpu.memory_space<hbm>> -> memref<1x4096xf32, #tpu.memory_space<hbm>>
    %dma_wait3A_41 = tpu.memref_squeeze %dma_wait3A_40 : memref<1x4096xf32, #tpu.memory_space<hbm>> -> memref<4096xf32, #tpu.memory_space<hbm>>
    tpu.wait_dma2 semaphore(%arg10 : memref<!tpu.dma_semaphore, #tpu.memory_space<semaphore_mem>>) src(%dma_wait3A_41 : memref<4096xf32, #tpu.memory_space<hbm>>) dst(%dma_wait3A_38 : memref<4096xf32, #tpu.memory_space<vmem>>)
    %add3A_42 = arith.constant 64 : i32
    %add3A_43 = arith.addi %add3A_42, %add3A : i32
    %dma_start3A_44 = arith.constant 0 : i32
    %dma_start3A_45 = arith.constant 0 : i32
    %dma_start3A_46 = tpu.memref_slice %arg7[%dma_start3A_44, %dma_start3A_45] : memref<2x4096xf32, #tpu.memory_space<vmem>> -> memref<1x4096xf32, #tpu.memory_space<vmem>>
    %dma_start3A_47 = tpu.memref_squeeze %dma_start3A_46 : memref<1x4096xf32, #tpu.memory_space<vmem>> -> memref<4096xf32, #tpu.memory_space<vmem>>
    %dma_start3A_48 = arith.constant 0 : i32
    %dma_start3A_49 = tpu.memref_slice %arg4[%add3A_43, %dma_start3A_48] : memref<96x16384xf32, #tpu.memory_space<hbm>> -> memref<1x4096xf32, #tpu.memory_space<hbm>>
    %dma_start3A_50 = tpu.memref_squeeze %dma_start3A_49 : memref<1x4096xf32, #tpu.memory_space<hbm>> -> memref<4096xf32, #tpu.memory_space<hbm>>
    %dma_start3A_51 = arith.constant 0 : i32
    %dma_start3A_52 = tpu.memref_slice %arg4[%add3A_43, %dma_start3A_51] : memref<96x16384xf32, #tpu.memory_space<hbm>> -> memref<1x4096xf32, #tpu.memory_space<hbm>>
    %dma_start3A_53 = tpu.memref_squeeze %dma_start3A_52 : memref<1x4096xf32, #tpu.memory_space<hbm>> -> memref<4096xf32, #tpu.memory_space<hbm>>
    %dma_start3A_54 = arith.constant 0 : i32
    %dma_start3A_55 = tpu.memref_slice %arg7[%dma_start3A_44, %dma_start3A_54] : memref<2x4096xf32, #tpu.memory_space<vmem>> -> memref<1x4096xf32, #tpu.memory_space<vmem>>
    %dma_start3A_56 = tpu.memref_squeeze %dma_start3A_55 : memref<1x4096xf32, #tpu.memory_space<vmem>> -> memref<4096xf32, #tpu.memory_space<vmem>>
    tpu.enqueue_dma source(%dma_start3A_56 : memref<4096xf32, #tpu.memory_space<vmem>>) target(%dma_start3A_53 : memref<4096xf32, #tpu.memory_space<hbm>>) target_semaphore(%arg12 : memref<!tpu.dma_semaphore, #tpu.memory_space<semaphore_mem>>)
    %add3A_57 = arith.constant 1 : i32
    %add3A_58 = arith.addi %add3A_57, %add3A : i32
    %dma_start3A_59 = arith.constant 1 : i32
    %dma_start3A_60 = arith.constant 0 : i32
    %dma_start3A_61 = tpu.memref_slice %arg7[%dma_start3A_59, %dma_start3A_60] : memref<2x4096xf32, #tpu.memory_space<vmem>> -> memref<1x4096xf32, #tpu.memory_space<vmem>>
    %dma_start3A_62 = tpu.memref_squeeze %dma_start3A_61 : memref<1x4096xf32, #tpu.memory_space<vmem>> -> memref<4096xf32, #tpu.memory_space<vmem>>
    %dma_start3A_63 = arith.constant 4096 : i32
    %dma_start3A_64 = tpu.memref_slice %arg2[%add3A_58, %dma_start3A_63] : memref<33x16384xf32, #tpu.memory_space<hbm>> -> memref<1x4096xf32, #tpu.memory_space<hbm>>
    %dma_start3A_65 = tpu.memref_squeeze %dma_start3A_64 : memref<1x4096xf32, #tpu.memory_space<hbm>> -> memref<4096xf32, #tpu.memory_space<hbm>>
    %dma_start3A_66 = arith.constant 0 : i32
    %dma_start3A_67 = tpu.memref_slice %arg7[%dma_start3A_59, %dma_start3A_66] : memref<2x4096xf32, #tpu.memory_space<vmem>> -> memref<1x4096xf32, #tpu.memory_space<vmem>>
    %dma_start3A_68 = tpu.memref_squeeze %dma_start3A_67 : memref<1x4096xf32, #tpu.memory_space<vmem>> -> memref<4096xf32, #tpu.memory_space<vmem>>
    %dma_start3A_69 = arith.constant 4096 : i32
    %dma_start3A_70 = tpu.memref_slice %arg2[%add3A_58, %dma_start3A_69] : memref<33x16384xf32, #tpu.memory_space<hbm>> -> memref<1x4096xf32, #tpu.memory_space<hbm>>
    %dma_start3A_71 = tpu.memref_squeeze %dma_start3A_70 : memref<1x4096xf32, #tpu.memory_space<hbm>> -> memref<4096xf32, #tpu.memory_space<hbm>>
    tpu.enqueue_dma source(%dma_start3A_71 : memref<4096xf32, #tpu.memory_space<hbm>>) target(%dma_start3A_68 : memref<4096xf32, #tpu.memory_space<vmem>>) target_semaphore(%arg11 : memref<!tpu.dma_semaphore, #tpu.memory_space<semaphore_mem>>)
    %dma_wait3A_72 = arith.constant 1 : i32
    %dma_wait3A_73 = arith.constant 0 : i32
    %dma_wait3A_74 = tpu.memref_slice %arg7[%dma_wait3A_72, %dma_wait3A_73] : memref<2x4096xf32, #tpu.memory_space<vmem>> -> memref<1x4096xf32, #tpu.memory_space<vmem>>
    %dma_wait3A_75 = tpu.memref_squeeze %dma_wait3A_74 : memref<1x4096xf32, #tpu.memory_space<vmem>> -> memref<4096xf32, #tpu.memory_space<vmem>>
    %dma_wait3A_76 = arith.constant 4096 : i32
    %dma_wait3A_77 = tpu.memref_slice %arg2[%add3A_58, %dma_wait3A_76] : memref<33x16384xf32, #tpu.memory_space<hbm>> -> memref<1x4096xf32, #tpu.memory_space<hbm>>
    %dma_wait3A_78 = tpu.memref_squeeze %dma_wait3A_77 : memref<1x4096xf32, #tpu.memory_space<hbm>> -> memref<4096xf32, #tpu.memory_space<hbm>>
    %dma_wait3A_79 = arith.constant 0 : i32
    %dma_wait3A_80 = tpu.memref_slice %arg7[%dma_wait3A_72, %dma_wait3A_79] : memref<2x4096xf32, #tpu.memory_space<vmem>> -> memref<1x4096xf32, #tpu.memory_space<vmem>>
    %dma_wait3A_81 = tpu.memref_squeeze %dma_wait3A_80 : memref<1x4096xf32, #tpu.memory_space<vmem>> -> memref<4096xf32, #tpu.memory_space<vmem>>
    %dma_wait3A_82 = arith.constant 4096 : i32
    %dma_wait3A_83 = tpu.memref_slice %arg2[%add3A_58, %dma_wait3A_82] : memref<33x16384xf32, #tpu.memory_space<hbm>> -> memref<1x4096xf32, #tpu.memory_space<hbm>>
    %dma_wait3A_84 = tpu.memref_squeeze %dma_wait3A_83 : memref<1x4096xf32, #tpu.memory_space<hbm>> -> memref<4096xf32, #tpu.memory_space<hbm>>
    tpu.wait_dma2 semaphore(%arg11 : memref<!tpu.dma_semaphore, #tpu.memory_space<semaphore_mem>>) src(%dma_wait3A_84 : memref<4096xf32, #tpu.memory_space<hbm>>) dst(%dma_wait3A_81 : memref<4096xf32, #tpu.memory_space<vmem>>)
    %add3A_85 = arith.constant 64 : i32
    %add3A_86 = arith.addi %add3A_85, %add3A : i32
    %dma_start3A_87 = arith.constant 1 : i32
    %dma_start3A_88 = arith.constant 0 : i32
    %dma_start3A_89 = tpu.memref_slice %arg7[%dma_start3A_87, %dma_start3A_88] : memref<2x4096xf32, #tpu.memory_space<vmem>> -> memref<1x4096xf32, #tpu.memory_space<vmem>>
    %dma_start3A_90 = tpu.memref_squeeze %dma_start3A_89 : memref<1x4096xf32, #tpu.memory_space<vmem>> -> memref<4096xf32, #tpu.memory_space<vmem>>
    %dma_start3A_91 = arith.constant 4096 : i32
    %dma_start3A_92 = tpu.memref_slice %arg4[%add3A_86, %dma_start3A_91] : memref<96x16384xf32, #tpu.memory_space<hbm>> -> memref<1x4096xf32, #tpu.memory_space<hbm>>
    %dma_start3A_93 = tpu.memref_squeeze %dma_start3A_92 : memref<1x4096xf32, #tpu.memory_space<hbm>> -> memref<4096xf32, #tpu.memory_space<hbm>>
    %dma_start3A_94 = arith.constant 4096 : i32
    %dma_start3A_95 = tpu.memref_slice %arg4[%add3A_86, %dma_start3A_94] : memref<96x16384xf32, #tpu.memory_space<hbm>> -> memref<1x4096xf32, #tpu.memory_space<hbm>>
    %dma_start3A_96 = tpu.memref_squeeze %dma_start3A_95 : memref<1x4096xf32, #tpu.memory_space<hbm>> -> memref<4096xf32, #tpu.memory_space<hbm>>
    %dma_start3A_97 = arith.constant 0 : i32
    %dma_start3A_98 = tpu.memref_slice %arg7[%dma_start3A_87, %dma_start3A_97] : memref<2x4096xf32, #tpu.memory_space<vmem>> -> memref<1x4096xf32, #tpu.memory_space<vmem>>
    %dma_start3A_99 = tpu.memref_squeeze %dma_start3A_98 : memref<1x4096xf32, #tpu.memory_space<vmem>> -> memref<4096xf32, #tpu.memory_space<vmem>>
    tpu.enqueue_dma source(%dma_start3A_99 : memref<4096xf32, #tpu.memory_space<vmem>>) target(%dma_start3A_96 : memref<4096xf32, #tpu.memory_space<hbm>>) target_semaphore(%arg13 : memref<!tpu.dma_semaphore, #tpu.memory_space<semaphore_mem>>)
    %dma_wait3A_100 = arith.constant 0 : i32
    %dma_wait3A_101 = arith.constant 0 : i32
    %dma_wait3A_102 = tpu.memref_slice %arg7[%dma_wait3A_100, %dma_wait3A_101] : memref<2x4096xf32, #tpu.memory_space<vmem>> -> memref<1x4096xf32, #tpu.memory_space<vmem>>
    %dma_wait3A_103 = tpu.memref_squeeze %dma_wait3A_102 : memref<1x4096xf32, #tpu.memory_space<vmem>> -> memref<4096xf32, #tpu.memory_space<vmem>>
    %dma_wait3A_104 = arith.constant 0 : i32
    %dma_wait3A_105 = tpu.memref_slice %arg4[%add3A_43, %dma_wait3A_104] : memref<96x16384xf32, #tpu.memory_space<hbm>> -> memref<1x4096xf32, #tpu.memory_space<hbm>>
    %dma_wait3A_106 = tpu.memref_squeeze %dma_wait3A_105 : memref<1x4096xf32, #tpu.memory_space<hbm>> -> memref<4096xf32, #tpu.memory_space<hbm>>
    %dma_wait3A_107 = arith.constant 0 : i32
    %dma_wait3A_108 = tpu.memref_slice %arg4[%add3A_43, %dma_wait3A_107] : memref<96x16384xf32, #tpu.memory_space<hbm>> -> memref<1x4096xf32, #tpu.memory_space<hbm>>
    %dma_wait3A_109 = tpu.memref_squeeze %dma_wait3A_108 : memref<1x4096xf32, #tpu.memory_space<hbm>> -> memref<4096xf32, #tpu.memory_space<hbm>>
    %dma_wait3A_110 = arith.constant 0 : i32
    %dma_wait3A_111 = tpu.memref_slice %arg7[%dma_wait3A_100, %dma_wait3A_110] : memref<2x4096xf32, #tpu.memory_space<vmem>> -> memref<1x4096xf32, #tpu.memory_space<vmem>>
    %dma_wait3A_112 = tpu.memref_squeeze %dma_wait3A_111 : memref<1x4096xf32, #tpu.memory_space<vmem>> -> memref<4096xf32, #tpu.memory_space<vmem>>
    tpu.wait_dma2 semaphore(%arg12 : memref<!tpu.dma_semaphore, #tpu.memory_space<semaphore_mem>>) src(%dma_wait3A_112 : memref<4096xf32, #tpu.memory_space<vmem>>) dst(%dma_wait3A_109 : memref<4096xf32, #tpu.memory_space<hbm>>)
    %add3A_113 = arith.constant 1 : i32
    %add3A_114 = arith.addi %add3A_113, %add3A : i32
    %dma_start3A_115 = arith.constant 0 : i32
    %dma_start3A_116 = arith.constant 0 : i32
    %dma_start3A_117 = tpu.memref_slice %arg7[%dma_start3A_115, %dma_start3A_116] : memref<2x4096xf32, #tpu.memory_space<vmem>> -> memref<1x4096xf32, #tpu.memory_space<vmem>>
    %dma_start3A_118 = tpu.memref_squeeze %dma_start3A_117 : memref<1x4096xf32, #tpu.memory_space<vmem>> -> memref<4096xf32, #tpu.memory_space<vmem>>
    %dma_start3A_119 = arith.constant 8192 : i32
    %dma_start3A_120 = tpu.memref_slice %arg2[%add3A_114, %dma_start3A_119] : memref<33x16384xf32, #tpu.memory_space<hbm>> -> memref<1x4096xf32, #tpu.memory_space<hbm>>
    %dma_start3A_121 = tpu.memref_squeeze %dma_start3A_120 : memref<1x4096xf32, #tpu.memory_space<hbm>> -> memref<4096xf32, #tpu.memory_space<hbm>>
    %dma_start3A_122 = arith.constant 0 : i32
    %dma_start3A_123 = tpu.memref_slice %arg7[%dma_start3A_115, %dma_start3A_122] : memref<2x4096xf32, #tpu.memory_space<vmem>> -> memref<1x4096xf32, #tpu.memory_space<vmem>>
    %dma_start3A_124 = tpu.memref_squeeze %dma_start3A_123 : memref<1x4096xf32, #tpu.memory_space<vmem>> -> memref<4096xf32, #tpu.memory_space<vmem>>
    %dma_start3A_125 = arith.constant 8192 : i32
    %dma_start3A_126 = tpu.memref_slice %arg2[%add3A_114, %dma_start3A_125] : memref<33x16384xf32, #tpu.memory_space<hbm>> -> memref<1x4096xf32, #tpu.memory_space<hbm>>
    %dma_start3A_127 = tpu.memref_squeeze %dma_start3A_126 : memref<1x4096xf32, #tpu.memory_space<hbm>> -> memref<4096xf32, #tpu.memory_space<hbm>>
    tpu.enqueue_dma source(%dma_start3A_127 : memref<4096xf32, #tpu.memory_space<hbm>>) target(%dma_start3A_124 : memref<4096xf32, #tpu.memory_space<vmem>>) target_semaphore(%arg10 : memref<!tpu.dma_semaphore, #tpu.memory_space<semaphore_mem>>)
    %dma_wait3A_128 = arith.constant 0 : i32
    %dma_wait3A_129 = arith.constant 0 : i32
    %dma_wait3A_130 = tpu.memref_slice %arg7[%dma_wait3A_128, %dma_wait3A_129] : memref<2x4096xf32, #tpu.memory_space<vmem>> -> memref<1x4096xf32, #tpu.memory_space<vmem>>
    %dma_wait3A_131 = tpu.memref_squeeze %dma_wait3A_130 : memref<1x4096xf32, #tpu.memory_space<vmem>> -> memref<4096xf32, #tpu.memory_space<vmem>>
    %dma_wait3A_132 = arith.constant 8192 : i32
    %dma_wait3A_133 = tpu.memref_slice %arg2[%add3A_114, %dma_wait3A_132] : memref<33x16384xf32, #tpu.memory_space<hbm>> -> memref<1x4096xf32, #tpu.memory_space<hbm>>
    %dma_wait3A_134 = tpu.memref_squeeze %dma_wait3A_133 : memref<1x4096xf32, #tpu.memory_space<hbm>> -> memref<4096xf32, #tpu.memory_space<hbm>>
    %dma_wait3A_135 = arith.constant 0 : i32
    %dma_wait3A_136 = tpu.memref_slice %arg7[%dma_wait3A_128, %dma_wait3A_135] : memref<2x4096xf32, #tpu.memory_space<vmem>> -> memref<1x4096xf32, #tpu.memory_space<vmem>>
    %dma_wait3A_137 = tpu.memref_squeeze %dma_wait3A_136 : memref<1x4096xf32, #tpu.memory_space<vmem>> -> memref<4096xf32, #tpu.memory_space<vmem>>
    %dma_wait3A_138 = arith.constant 8192 : i32
    %dma_wait3A_139 = tpu.memref_slice %arg2[%add3A_114, %dma_wait3A_138] : memref<33x16384xf32, #tpu.memory_space<hbm>> -> memref<1x4096xf32, #tpu.memory_space<hbm>>
    %dma_wait3A_140 = tpu.memref_squeeze %dma_wait3A_139 : memref<1x4096xf32, #tpu.memory_space<hbm>> -> memref<4096xf32, #tpu.memory_space<hbm>>
    tpu.wait_dma2 semaphore(%arg10 : memref<!tpu.dma_semaphore, #tpu.memory_space<semaphore_mem>>) src(%dma_wait3A_140 : memref<4096xf32, #tpu.memory_space<hbm>>) dst(%dma_wait3A_137 : memref<4096xf32, #tpu.memory_space<vmem>>)
    %add3A_141 = arith.constant 64 : i32
    %add3A_142 = arith.addi %add3A_141, %add3A : i32
    %dma_start3A_143 = arith.constant 0 : i32
    %dma_start3A_144 = arith.constant 0 : i32
    %dma_start3A_145 = tpu.memref_slice %arg7[%dma_start3A_143, %dma_start3A_144] : memref<2x4096xf32, #tpu.memory_space<vmem>> -> memref<1x4096xf32, #tpu.memory_space<vmem>>
    %dma_start3A_146 = tpu.memref_squeeze %dma_start3A_145 : memref<1x4096xf32, #tpu.memory_space<vmem>> -> memref<4096xf32, #tpu.memory_space<vmem>>
    %dma_start3A_147 = arith.constant 8192 : i32
    %dma_start3A_148 = tpu.memref_slice %arg4[%add3A_142, %dma_start3A_147] : memref<96x16384xf32, #tpu.memory_space<hbm>> -> memref<1x4096xf32, #tpu.memory_space<hbm>>
    %dma_start3A_149 = tpu.memref_squeeze %dma_start3A_148 : memref<1x4096xf32, #tpu.memory_space<hbm>> -> memref<4096xf32, #tpu.memory_space<hbm>>
    %dma_start3A_150 = arith.constant 8192 : i32
    %dma_start3A_151 = tpu.memref_slice %arg4[%add3A_142, %dma_start3A_150] : memref<96x16384xf32, #tpu.memory_space<hbm>> -> memref<1x4096xf32, #tpu.memory_space<hbm>>
    %dma_start3A_152 = tpu.memref_squeeze %dma_start3A_151 : memref<1x4096xf32, #tpu.memory_space<hbm>> -> memref<4096xf32, #tpu.memory_space<hbm>>
    %dma_start3A_153 = arith.constant 0 : i32
    %dma_start3A_154 = tpu.memref_slice %arg7[%dma_start3A_143, %dma_start3A_153] : memref<2x4096xf32, #tpu.memory_space<vmem>> -> memref<1x4096xf32, #tpu.memory_space<vmem>>
    %dma_start3A_155 = tpu.memref_squeeze %dma_start3A_154 : memref<1x4096xf32, #tpu.memory_space<vmem>> -> memref<4096xf32, #tpu.memory_space<vmem>>
    tpu.enqueue_dma source(%dma_start3A_155 : memref<4096xf32, #tpu.memory_space<vmem>>) target(%dma_start3A_152 : memref<4096xf32, #tpu.memory_space<hbm>>) target_semaphore(%arg12 : memref<!tpu.dma_semaphore, #tpu.memory_space<semaphore_mem>>)
    %dma_wait3A_156 = arith.constant 1 : i32
    %dma_wait3A_157 = arith.constant 0 : i32
    %dma_wait3A_158 = tpu.memref_slice %arg7[%dma_wait3A_156, %dma_wait3A_157] : memref<2x4096xf32, #tpu.memory_space<vmem>> -> memref<1x4096xf32, #tpu.memory_space<vmem>>
    %dma_wait3A_159 = tpu.memref_squeeze %dma_wait3A_158 : memref<1x4096xf32, #tpu.memory_space<vmem>> -> memref<4096xf32, #tpu.memory_space<vmem>>
    %dma_wait3A_160 = arith.constant 4096 : i32
    %dma_wait3A_161 = tpu.memref_slice %arg4[%add3A_86, %dma_wait3A_160] : memref<96x16384xf32, #tpu.memory_space<hbm>> -> memref<1x4096xf32, #tpu.memory_space<hbm>>
    %dma_wait3A_162 = tpu.memref_squeeze %dma_wait3A_161 : memref<1x4096xf32, #tpu.memory_space<hbm>> -> memref<4096xf32, #tpu.memory_space<hbm>>
    %dma_wait3A_163 = arith.constant 4096 : i32
    %dma_wait3A_164 = tpu.memref_slice %arg4[%add3A_86, %dma_wait3A_163] : memref<96x16384xf32, #tpu.memory_space<hbm>> -> memref<1x4096xf32, #tpu.memory_space<hbm>>
    %dma_wait3A_165 = tpu.memref_squeeze %dma_wait3A_164 : memref<1x4096xf32, #tpu.memory_space<hbm>> -> memref<4096xf32, #tpu.memory_space<hbm>>
    %dma_wait3A_166 = arith.constant 0 : i32
    %dma_wait3A_167 = tpu.memref_slice %arg7[%dma_wait3A_156, %dma_wait3A_166] : memref<2x4096xf32, #tpu.memory_space<vmem>> -> memref<1x4096xf32, #tpu.memory_space<vmem>>
    %dma_wait3A_168 = tpu.memref_squeeze %dma_wait3A_167 : memref<1x4096xf32, #tpu.memory_space<vmem>> -> memref<4096xf32, #tpu.memory_space<vmem>>
    tpu.wait_dma2 semaphore(%arg13 : memref<!tpu.dma_semaphore, #tpu.memory_space<semaphore_mem>>) src(%dma_wait3A_168 : memref<4096xf32, #tpu.memory_space<vmem>>) dst(%dma_wait3A_165 : memref<4096xf32, #tpu.memory_space<hbm>>)
    %add3A_169 = arith.constant 1 : i32
    %add3A_170 = arith.addi %add3A_169, %add3A : i32
    %dma_start3A_171 = arith.constant 1 : i32
    %dma_start3A_172 = arith.constant 0 : i32
    %dma_start3A_173 = tpu.memref_slice %arg7[%dma_start3A_171, %dma_start3A_172] : memref<2x4096xf32, #tpu.memory_space<vmem>> -> memref<1x4096xf32, #tpu.memory_space<vmem>>
    %dma_start3A_174 = tpu.memref_squeeze %dma_start3A_173 : memref<1x4096xf32, #tpu.memory_space<vmem>> -> memref<4096xf32, #tpu.memory_space<vmem>>
    %dma_start3A_175 = arith.constant 12288 : i32
    %dma_start3A_176 = tpu.memref_slice %arg2[%add3A_170, %dma_start3A_175] : memref<33x16384xf32, #tpu.memory_space<hbm>> -> memref<1x4096xf32, #tpu.memory_space<hbm>>
    %dma_start3A_177 = tpu.memref_squeeze %dma_start3A_176 : memref<1x4096xf32, #tpu.memory_space<hbm>> -> memref<4096xf32, #tpu.memory_space<hbm>>
    %dma_start3A_178 = arith.constant 0 : i32
    %dma_start3A_179 = tpu.memref_slice %arg7[%dma_start3A_171, %dma_start3A_178] : memref<2x4096xf32, #tpu.memory_space<vmem>> -> memref<1x4096xf32, #tpu.memory_space<vmem>>
    %dma_start3A_180 = tpu.memref_squeeze %dma_start3A_179 : memref<1x4096xf32, #tpu.memory_space<vmem>> -> memref<4096xf32, #tpu.memory_space<vmem>>
    %dma_start3A_181 = arith.constant 12288 : i32
    %dma_start3A_182 = tpu.memref_slice %arg2[%add3A_170, %dma_start3A_181] : memref<33x16384xf32, #tpu.memory_space<hbm>> -> memref<1x4096xf32, #tpu.memory_space<hbm>>
    %dma_start3A_183 = tpu.memref_squeeze %dma_start3A_182 : memref<1x4096xf32, #tpu.memory_space<hbm>> -> memref<4096xf32, #tpu.memory_space<hbm>>
    tpu.enqueue_dma source(%dma_start3A_183 : memref<4096xf32, #tpu.memory_space<hbm>>) target(%dma_start3A_180 : memref<4096xf32, #tpu.memory_space<vmem>>) target_semaphore(%arg11 : memref<!tpu.dma_semaphore, #tpu.memory_space<semaphore_mem>>)
    %dma_wait3A_184 = arith.constant 1 : i32
    %dma_wait3A_185 = arith.constant 0 : i32
    %dma_wait3A_186 = tpu.memref_slice %arg7[%dma_wait3A_184, %dma_wait3A_185] : memref<2x4096xf32, #tpu.memory_space<vmem>> -> memref<1x4096xf32, #tpu.memory_space<vmem>>
    %dma_wait3A_187 = tpu.memref_squeeze %dma_wait3A_186 : memref<1x4096xf32, #tpu.memory_space<vmem>> -> memref<4096xf32, #tpu.memory_space<vmem>>
    %dma_wait3A_188 = arith.constant 12288 : i32
    %dma_wait3A_189 = tpu.memref_slice %arg2[%add3A_170, %dma_wait3A_188] : memref<33x16384xf32, #tpu.memory_space<hbm>> -> memref<1x4096xf32, #tpu.memory_space<hbm>>
    %dma_wait3A_190 = tpu.memref_squeeze %dma_wait3A_189 : memref<1x4096xf32, #tpu.memory_space<hbm>> -> memref<4096xf32, #tpu.memory_space<hbm>>
    %dma_wait3A_191 = arith.constant 0 : i32
    %dma_wait3A_192 = tpu.memref_slice %arg7[%dma_wait3A_184, %dma_wait3A_191] : memref<2x4096xf32, #tpu.memory_space<vmem>> -> memref<1x4096xf32, #tpu.memory_space<vmem>>
    %dma_wait3A_193 = tpu.memref_squeeze %dma_wait3A_192 : memref<1x4096xf32, #tpu.memory_space<vmem>> -> memref<4096xf32, #tpu.memory_space<vmem>>
    %dma_wait3A_194 = arith.constant 12288 : i32
    %dma_wait3A_195 = tpu.memref_slice %arg2[%add3A_170, %dma_wait3A_194] : memref<33x16384xf32, #tpu.memory_space<hbm>> -> memref<1x4096xf32, #tpu.memory_space<hbm>>
    %dma_wait3A_196 = tpu.memref_squeeze %dma_wait3A_195 : memref<1x4096xf32, #tpu.memory_space<hbm>> -> memref<4096xf32, #tpu.memory_space<hbm>>
    tpu.wait_dma2 semaphore(%arg11 : memref<!tpu.dma_semaphore, #tpu.memory_space<semaphore_mem>>) src(%dma_wait3A_196 : memref<4096xf32, #tpu.memory_space<hbm>>) dst(%dma_wait3A_193 : memref<4096xf32, #tpu.memory_space<vmem>>)
    %add3A_197 = arith.constant 64 : i32
    %add3A_198 = arith.addi %add3A_197, %add3A : i32
    %dma_start3A_199 = arith.constant 1 : i32
    %dma_start3A_200 = arith.constant 0 : i32
    %dma_start3A_201 = tpu.memref_slice %arg7[%dma_start3A_199, %dma_start3A_200] : memref<2x4096xf32, #tpu.memory_space<vmem>> -> memref<1x4096xf32, #tpu.memory_space<vmem>>
    %dma_start3A_202 = tpu.memref_squeeze %dma_start3A_201 : memref<1x4096xf32, #tpu.memory_space<vmem>> -> memref<4096xf32, #tpu.memory_space<vmem>>
    %dma_start3A_203 = arith.constant 12288 : i32
    %dma_start3A_204 = tpu.memref_slice %arg4[%add3A_198, %dma_start3A_203] : memref<96x16384xf32, #tpu.memory_space<hbm>> -> memref<1x4096xf32, #tpu.memory_space<hbm>>
    %dma_start3A_205 = tpu.memref_squeeze %dma_start3A_204 : memref<1x4096xf32, #tpu.memory_space<hbm>> -> memref<4096xf32, #tpu.memory_space<hbm>>
    %dma_start3A_206 = arith.constant 12288 : i32
    %dma_start3A_207 = tpu.memref_slice %arg4[%add3A_198, %dma_start3A_206] : memref<96x16384xf32, #tpu.memory_space<hbm>> -> memref<1x4096xf32, #tpu.memory_space<hbm>>
    %dma_start3A_208 = tpu.memref_squeeze %dma_start3A_207 : memref<1x4096xf32, #tpu.memory_space<hbm>> -> memref<4096xf32, #tpu.memory_space<hbm>>
    %dma_start3A_209 = arith.constant 0 : i32
    %dma_start3A_210 = tpu.memref_slice %arg7[%dma_start3A_199, %dma_start3A_209] : memref<2x4096xf32, #tpu.memory_space<vmem>> -> memref<1x4096xf32, #tpu.memory_space<vmem>>
    %dma_start3A_211 = tpu.memref_squeeze %dma_start3A_210 : memref<1x4096xf32, #tpu.memory_space<vmem>> -> memref<4096xf32, #tpu.memory_space<vmem>>
    tpu.enqueue_dma source(%dma_start3A_211 : memref<4096xf32, #tpu.memory_space<vmem>>) target(%dma_start3A_208 : memref<4096xf32, #tpu.memory_space<hbm>>) target_semaphore(%arg13 : memref<!tpu.dma_semaphore, #tpu.memory_space<semaphore_mem>>)
    %dma_wait3A_212 = arith.constant 0 : i32
    %dma_wait3A_213 = arith.constant 0 : i32
    %dma_wait3A_214 = tpu.memref_slice %arg7[%dma_wait3A_212, %dma_wait3A_213] : memref<2x4096xf32, #tpu.memory_space<vmem>> -> memref<1x4096xf32, #tpu.memory_space<vmem>>
    %dma_wait3A_215 = tpu.memref_squeeze %dma_wait3A_214 : memref<1x4096xf32, #tpu.memory_space<vmem>> -> memref<4096xf32, #tpu.memory_space<vmem>>
    %dma_wait3A_216 = arith.constant 8192 : i32
    %dma_wait3A_217 = tpu.memref_slice %arg4[%add3A_142, %dma_wait3A_216] : memref<96x16384xf32, #tpu.memory_space<hbm>> -> memref<1x4096xf32, #tpu.memory_space<hbm>>
    %dma_wait3A_218 = tpu.memref_squeeze %dma_wait3A_217 : memref<1x4096xf32, #tpu.memory_space<hbm>> -> memref<4096xf32, #tpu.memory_space<hbm>>
    %dma_wait3A_219 = arith.constant 8192 : i32
    %dma_wait3A_220 = tpu.memref_slice %arg4[%add3A_142, %dma_wait3A_219] : memref<96x16384xf32, #tpu.memory_space<hbm>> -> memref<1x4096xf32, #tpu.memory_space<hbm>>
    %dma_wait3A_221 = tpu.memref_squeeze %dma_wait3A_220 : memref<1x4096xf32, #tpu.memory_space<hbm>> -> memref<4096xf32, #tpu.memory_space<hbm>>
    %dma_wait3A_222 = arith.constant 0 : i32
    %dma_wait3A_223 = tpu.memref_slice %arg7[%dma_wait3A_212, %dma_wait3A_222] : memref<2x4096xf32, #tpu.memory_space<vmem>> -> memref<1x4096xf32, #tpu.memory_space<vmem>>
    %dma_wait3A_224 = tpu.memref_squeeze %dma_wait3A_223 : memref<1x4096xf32, #tpu.memory_space<vmem>> -> memref<4096xf32, #tpu.memory_space<vmem>>
    tpu.wait_dma2 semaphore(%arg12 : memref<!tpu.dma_semaphore, #tpu.memory_space<semaphore_mem>>) src(%dma_wait3A_224 : memref<4096xf32, #tpu.memory_space<vmem>>) dst(%dma_wait3A_221 : memref<4096xf32, #tpu.memory_space<hbm>>)
    %dma_wait3A_225 = arith.constant 1 : i32
    %dma_wait3A_226 = arith.constant 0 : i32
    %dma_wait3A_227 = tpu.memref_slice %arg7[%dma_wait3A_225, %dma_wait3A_226] : memref<2x4096xf32, #tpu.memory_space<vmem>> -> memref<1x4096xf32, #tpu.memory_space<vmem>>
    %dma_wait3A_228 = tpu.memref_squeeze %dma_wait3A_227 : memref<1x4096xf32, #tpu.memory_space<vmem>> -> memref<4096xf32, #tpu.memory_space<vmem>>
    %dma_wait3A_229 = arith.constant 12288 : i32
    %dma_wait3A_230 = tpu.memref_slice %arg4[%add3A_198, %dma_wait3A_229] : memref<96x16384xf32, #tpu.memory_space<hbm>> -> memref<1x4096xf32, #tpu.memory_space<hbm>>
    %dma_wait3A_231 = tpu.memref_squeeze %dma_wait3A_230 : memref<1x4096xf32, #tpu.memory_space<hbm>> -> memref<4096xf32, #tpu.memory_space<hbm>>
    %dma_wait3A_232 = arith.constant 12288 : i32
    %dma_wait3A_233 = tpu.memref_slice %arg4[%add3A_198, %dma_wait3A_232] : memref<96x16384xf32, #tpu.memory_space<hbm>> -> memref<1x4096xf32, #tpu.memory_space<hbm>>
    %dma_wait3A_234 = tpu.memref_squeeze %dma_wait3A_233 : memref<1x4096xf32, #tpu.memory_space<hbm>> -> memref<4096xf32, #tpu.memory_space<hbm>>
    %dma_wait3A_235 = arith.constant 0 : i32
    %dma_wait3A_236 = tpu.memref_slice %arg7[%dma_wait3A_225, %dma_wait3A_235] : memref<2x4096xf32, #tpu.memory_space<vmem>> -> memref<1x4096xf32, #tpu.memory_space<vmem>>
    %dma_wait3A_237 = tpu.memref_squeeze %dma_wait3A_236 : memref<1x4096xf32, #tpu.memory_space<vmem>> -> memref<4096xf32, #tpu.memory_space<vmem>>
    tpu.wait_dma2 semaphore(%arg13 : memref<!tpu.dma_semaphore, #tpu.memory_space<semaphore_mem>>) src(%dma_wait3A_237 : memref<4096xf32, #tpu.memory_space<vmem>>) dst(%dma_wait3A_234 : memref<4096xf32, #tpu.memory_space<hbm>>)
    %add3A_238 = arith.constant 0 : i32
    %add3A_239 = arith.addi %mul3A_2, %add3A_238 : i32
    %dma_wait3A_240 = arith.constant 0 : i32
    %dma_wait3A_241 = tpu.memref_slice %arg3[%mul3A_2, %dma_wait3A_240] : memref<64x100000xf32, #tpu.memory_space<hbm>> -> memref<1x100000xf32, #tpu.memory_space<hbm>>
    %dma_wait3A_242 = tpu.memref_squeeze %dma_wait3A_241 : memref<1x100000xf32, #tpu.memory_space<hbm>> -> memref<100000xf32, #tpu.memory_space<hbm>>
    %dma_wait3A_243 = arith.constant 0 : i32
    %dma_wait3A_244 = tpu.memref_slice %arg3[%mul3A_2, %dma_wait3A_243] : memref<64x100000xf32, #tpu.memory_space<hbm>> -> memref<1x100000xf32, #tpu.memory_space<hbm>>
    %dma_wait3A_245 = tpu.memref_squeeze %dma_wait3A_244 : memref<1x100000xf32, #tpu.memory_space<hbm>> -> memref<100000xf32, #tpu.memory_space<hbm>>
    tpu.wait_dma2 semaphore(%arg9 : memref<!tpu.dma_semaphore, #tpu.memory_space<semaphore_mem>>) src(%dma_wait3A_245 : memref<100000xf32, #tpu.memory_space<hbm>>) dst(%arg5 : memref<100000xf32, #tpu.memory_space<vmem>>)
    %parallel_loop3A_246 = arith.constant 0 : i32
    %parallel_loop3A_247 = arith.constant 4096 : i32
    %parallel_loop3A_248 = arith.constant 16 : i32
    scf.for %parallel_loop3A_494 = %parallel_loop3A_246 to %parallel_loop3A_247 step %parallel_loop3A_248  : i32 {
      %parallel_loop3A_495 = arith.constant 0 : i32
      %parallel_loop3A_496 = arith.addi %parallel_loop3A_495, %parallel_loop3A_494 : i32
      %parallel_loop3A_497 = arith.index_cast %parallel_loop3A_496 : i32 to index
      %parallel_loop3A_498 = tpu.vector_load %arg6[%parallel_loop3A_497] {strides = array<i32>} : memref<16384xi32, #tpu.memory_space<vmem>>, vector<16xi32>,
      %parallel_loop3A_499 = tpu.vector_load_idx %arg5[%parallel_loop3A_498] : memref<100000xf32, #tpu.memory_space<vmem>>[vector<16xi32>], vector<16xf32>,
      %parallel_loop3A_500 = arith.constant 0 : i32
      %parallel_loop3A_501 = arith.index_cast %parallel_loop3A_500 : i32 to index
      %parallel_loop3A_502 = arith.index_cast %parallel_loop3A_494 : i32 to index
      %parallel_loop3A_503 = tpu.vector_load %arg7[%parallel_loop3A_501, %parallel_loop3A_502] {strides = array<i32>} : memref<2x4096xf32, #tpu.memory_space<vmem>>, vector<16xf32>,
      tpu.vector_store %arg7[%parallel_loop3A_501, %parallel_loop3A_502], %parallel_loop3A_499 {strides = array<i32>} : memref<2x4096xf32, #tpu.memory_space<vmem>>, vector<16xf32>,
    } {sc.loop_unroll_factor = 8 : i64, sc.parallel_access}
    %dma_start3A_249 = arith.constant 0 : i32
    %dma_start3A_250 = arith.constant 0 : i32
    %dma_start3A_251 = tpu.memref_slice %arg7[%dma_start3A_249, %dma_start3A_250] : memref<2x4096xf32, #tpu.memory_space<vmem>> -> memref<1x4096xf32, #tpu.memory_space<vmem>>
    %dma_start3A_252 = tpu.memref_squeeze %dma_start3A_251 : memref<1x4096xf32, #tpu.memory_space<vmem>> -> memref<4096xf32, #tpu.memory_space<vmem>>
    %dma_start3A_253 = arith.constant 0 : i32
    %dma_start3A_254 = tpu.memref_slice %arg4[%add3A_239, %dma_start3A_253] : memref<96x16384xf32, #tpu.memory_space<hbm>> -> memref<1x4096xf32, #tpu.memory_space<hbm>>
    %dma_start3A_255 = tpu.memref_squeeze %dma_start3A_254 : memref<1x4096xf32, #tpu.memory_space<hbm>> -> memref<4096xf32, #tpu.memory_space<hbm>>
    %dma_start3A_256 = arith.constant 0 : i32
    %dma_start3A_257 = tpu.memref_slice %arg4[%add3A_239, %dma_start3A_256] : memref<96x16384xf32, #tpu.memory_space<hbm>> -> memref<1x4096xf32, #tpu.memory_space<hbm>>
    %dma_start3A_258 = tpu.memref_squeeze %dma_start3A_257 : memref<1x4096xf32, #tpu.memory_space<hbm>> -> memref<4096xf32, #tpu.memory_space<hbm>>
    %dma_start3A_259 = arith.constant 0 : i32
    %dma_start3A_260 = tpu.memref_slice %arg7[%dma_start3A_249, %dma_start3A_259] : memref<2x4096xf32, #tpu.memory_space<vmem>> -> memref<1x4096xf32, #tpu.memory_space<vmem>>
    %dma_start3A_261 = tpu.memref_squeeze %dma_start3A_260 : memref<1x4096xf32, #tpu.memory_space<vmem>> -> memref<4096xf32, #tpu.memory_space<vmem>>
    tpu.enqueue_dma source(%dma_start3A_261 : memref<4096xf32, #tpu.memory_space<vmem>>) target(%dma_start3A_258 : memref<4096xf32, #tpu.memory_space<hbm>>) target_semaphore(%arg12 : memref<!tpu.dma_semaphore, #tpu.memory_space<semaphore_mem>>)
    %parallel_loop3A_262 = arith.constant 0 : i32
    %parallel_loop3A_263 = arith.constant 4096 : i32
    %parallel_loop3A_264 = arith.constant 16 : i32
    scf.for %parallel_loop3A_494 = %parallel_loop3A_262 to %parallel_loop3A_263 step %parallel_loop3A_264  : i32 {
      %parallel_loop3A_495 = arith.constant 4096 : i32
      %parallel_loop3A_496 = arith.addi %parallel_loop3A_495, %parallel_loop3A_494 : i32
      %parallel_loop3A_497 = arith.index_cast %parallel_loop3A_496 : i32 to index
      %parallel_loop3A_498 = tpu.vector_load %arg6[%parallel_loop3A_497] {strides = array<i32>} : memref<16384xi32, #tpu.memory_space<vmem>>, vector<16xi32>,
      %parallel_loop3A_499 = tpu.vector_load_idx %arg5[%parallel_loop3A_498] : memref<100000xf32, #tpu.memory_space<vmem>>[vector<16xi32>], vector<16xf32>,
      %parallel_loop3A_500 = arith.constant 1 : i32
      %parallel_loop3A_501 = arith.index_cast %parallel_loop3A_500 : i32 to index
      %parallel_loop3A_502 = arith.index_cast %parallel_loop3A_494 : i32 to index
      %parallel_loop3A_503 = tpu.vector_load %arg7[%parallel_loop3A_501, %parallel_loop3A_502] {strides = array<i32>} : memref<2x4096xf32, #tpu.memory_space<vmem>>, vector<16xf32>,
      tpu.vector_store %arg7[%parallel_loop3A_501, %parallel_loop3A_502], %parallel_loop3A_499 {strides = array<i32>} : memref<2x4096xf32, #tpu.memory_space<vmem>>, vector<16xf32>,
    } {sc.loop_unroll_factor = 8 : i64, sc.parallel_access}
    %dma_start3A_265 = arith.constant 1 : i32
    %dma_start3A_266 = arith.constant 0 : i32
    %dma_start3A_267 = tpu.memref_slice %arg7[%dma_start3A_265, %dma_start3A_266] : memref<2x4096xf32, #tpu.memory_space<vmem>> -> memref<1x4096xf32, #tpu.memory_space<vmem>>
    %dma_start3A_268 = tpu.memref_squeeze %dma_start3A_267 : memref<1x4096xf32, #tpu.memory_space<vmem>> -> memref<4096xf32, #tpu.memory_space<vmem>>
    %dma_start3A_269 = arith.constant 4096 : i32
    %dma_start3A_270 = tpu.memref_slice %arg4[%add3A_239, %dma_start3A_269] : memref<96x16384xf32, #tpu.memory_space<hbm>> -> memref<1x4096xf32, #tpu.memory_space<hbm>>
    %dma_start3A_271 = tpu.memref_squeeze %dma_start3A_270 : memref<1x4096xf32, #tpu.memory_space<hbm>> -> memref<4096xf32, #tpu.memory_space<hbm>>
    %dma_start3A_272 = arith.constant 4096 : i32
    %dma_start3A_273 = tpu.memref_slice %arg4[%add3A_239, %dma_start3A_272] : memref<96x16384xf32, #tpu.memory_space<hbm>> -> memref<1x4096xf32, #tpu.memory_space<hbm>>
    %dma_start3A_274 = tpu.memref_squeeze %dma_start3A_273 : memref<1x4096xf32, #tpu.memory_space<hbm>> -> memref<4096xf32, #tpu.memory_space<hbm>>
    %dma_start3A_275 = arith.constant 0 : i32
    %dma_start3A_276 = tpu.memref_slice %arg7[%dma_start3A_265, %dma_start3A_275] : memref<2x4096xf32, #tpu.memory_space<vmem>> -> memref<1x4096xf32, #tpu.memory_space<vmem>>
    %dma_start3A_277 = tpu.memref_squeeze %dma_start3A_276 : memref<1x4096xf32, #tpu.memory_space<vmem>> -> memref<4096xf32, #tpu.memory_space<vmem>>
    tpu.enqueue_dma source(%dma_start3A_277 : memref<4096xf32, #tpu.memory_space<vmem>>) target(%dma_start3A_274 : memref<4096xf32, #tpu.memory_space<hbm>>) target_semaphore(%arg13 : memref<!tpu.dma_semaphore, #tpu.memory_space<semaphore_mem>>)
    %dma_wait3A_278 = arith.constant 0 : i32
    %dma_wait3A_279 = arith.constant 0 : i32
    %dma_wait3A_280 = tpu.memref_slice %arg7[%dma_wait3A_278, %dma_wait3A_279] : memref<2x4096xf32, #tpu.memory_space<vmem>> -> memref<1x4096xf32, #tpu.memory_space<vmem>>
    %dma_wait3A_281 = tpu.memref_squeeze %dma_wait3A_280 : memref<1x4096xf32, #tpu.memory_space<vmem>> -> memref<4096xf32, #tpu.memory_space<vmem>>
    %dma_wait3A_282 = arith.constant 0 : i32
    %dma_wait3A_283 = tpu.memref_slice %arg4[%add3A_239, %dma_wait3A_282] : memref<96x16384xf32, #tpu.memory_space<hbm>> -> memref<1x4096xf32, #tpu.memory_space<hbm>>
    %dma_wait3A_284 = tpu.memref_squeeze %dma_wait3A_283 : memref<1x4096xf32, #tpu.memory_space<hbm>> -> memref<4096xf32, #tpu.memory_space<hbm>>
    %dma_wait3A_285 = arith.constant 0 : i32
    %dma_wait3A_286 = tpu.memref_slice %arg4[%add3A_239, %dma_wait3A_285] : memref<96x16384xf32, #tpu.memory_space<hbm>> -> memref<1x4096xf32, #tpu.memory_space<hbm>>
    %dma_wait3A_287 = tpu.memref_squeeze %dma_wait3A_286 : memref<1x4096xf32, #tpu.memory_space<hbm>> -> memref<4096xf32, #tpu.memory_space<hbm>>
    %dma_wait3A_288 = arith.constant 0 : i32
    %dma_wait3A_289 = tpu.memref_slice %arg7[%dma_wait3A_278, %dma_wait3A_288] : memref<2x4096xf32, #tpu.memory_space<vmem>> -> memref<1x4096xf32, #tpu.memory_space<vmem>>
    %dma_wait3A_290 = tpu.memref_squeeze %dma_wait3A_289 : memref<1x4096xf32, #tpu.memory_space<vmem>> -> memref<4096xf32, #tpu.memory_space<vmem>>
    tpu.wait_dma2 semaphore(%arg12 : memref<!tpu.dma_semaphore, #tpu.memory_space<semaphore_mem>>) src(%dma_wait3A_290 : memref<4096xf32, #tpu.memory_space<vmem>>) dst(%dma_wait3A_287 : memref<4096xf32, #tpu.memory_space<hbm>>)
    %parallel_loop3A_291 = arith.constant 0 : i32
    %parallel_loop3A_292 = arith.constant 4096 : i32
    %parallel_loop3A_293 = arith.constant 16 : i32
    scf.for %parallel_loop3A_494 = %parallel_loop3A_291 to %parallel_loop3A_292 step %parallel_loop3A_293  : i32 {
      %parallel_loop3A_495 = arith.constant 8192 : i32
      %parallel_loop3A_496 = arith.addi %parallel_loop3A_495, %parallel_loop3A_494 : i32
      %parallel_loop3A_497 = arith.index_cast %parallel_loop3A_496 : i32 to index
      %parallel_loop3A_498 = tpu.vector_load %arg6[%parallel_loop3A_497] {strides = array<i32>} : memref<16384xi32, #tpu.memory_space<vmem>>, vector<16xi32>,
      %parallel_loop3A_499 = tpu.vector_load_idx %arg5[%parallel_loop3A_498] : memref<100000xf32, #tpu.memory_space<vmem>>[vector<16xi32>], vector<16xf32>,
      %parallel_loop3A_500 = arith.constant 0 : i32
      %parallel_loop3A_501 = arith.index_cast %parallel_loop3A_500 : i32 to index
      %parallel_loop3A_502 = arith.index_cast %parallel_loop3A_494 : i32 to index
      %parallel_loop3A_503 = tpu.vector_load %arg7[%parallel_loop3A_501, %parallel_loop3A_502] {strides = array<i32>} : memref<2x4096xf32, #tpu.memory_space<vmem>>, vector<16xf32>,
      tpu.vector_store %arg7[%parallel_loop3A_501, %parallel_loop3A_502], %parallel_loop3A_499 {strides = array<i32>} : memref<2x4096xf32, #tpu.memory_space<vmem>>, vector<16xf32>,
    } {sc.loop_unroll_factor = 8 : i64, sc.parallel_access}
    %dma_start3A_294 = arith.constant 0 : i32
    %dma_start3A_295 = arith.constant 0 : i32
    %dma_start3A_296 = tpu.memref_slice %arg7[%dma_start3A_294, %dma_start3A_295] : memref<2x4096xf32, #tpu.memory_space<vmem>> -> memref<1x4096xf32, #tpu.memory_space<vmem>>
    %dma_start3A_297 = tpu.memref_squeeze %dma_start3A_296 : memref<1x4096xf32, #tpu.memory_space<vmem>> -> memref<4096xf32, #tpu.memory_space<vmem>>
    %dma_start3A_298 = arith.constant 8192 : i32
    %dma_start3A_299 = tpu.memref_slice %arg4[%add3A_239, %dma_start3A_298] : memref<96x16384xf32, #tpu.memory_space<hbm>> -> memref<1x4096xf32, #tpu.memory_space<hbm>>
    %dma_start3A_300 = tpu.memref_squeeze %dma_start3A_299 : memref<1x4096xf32, #tpu.memory_space<hbm>> -> memref<4096xf32, #tpu.memory_space<hbm>>
    %dma_start3A_301 = arith.constant 8192 : i32
    %dma_start3A_302 = tpu.memref_slice %arg4[%add3A_239, %dma_start3A_301] : memref<96x16384xf32, #tpu.memory_space<hbm>> -> memref<1x4096xf32, #tpu.memory_space<hbm>>
    %dma_start3A_303 = tpu.memref_squeeze %dma_start3A_302 : memref<1x4096xf32, #tpu.memory_space<hbm>> -> memref<4096xf32, #tpu.memory_space<hbm>>
    %dma_start3A_304 = arith.constant 0 : i32
    %dma_start3A_305 = tpu.memref_slice %arg7[%dma_start3A_294, %dma_start3A_304] : memref<2x4096xf32, #tpu.memory_space<vmem>> -> memref<1x4096xf32, #tpu.memory_space<vmem>>
    %dma_start3A_306 = tpu.memref_squeeze %dma_start3A_305 : memref<1x4096xf32, #tpu.memory_space<vmem>> -> memref<4096xf32, #tpu.memory_space<vmem>>
    tpu.enqueue_dma source(%dma_start3A_306 : memref<4096xf32, #tpu.memory_space<vmem>>) target(%dma_start3A_303 : memref<4096xf32, #tpu.memory_space<hbm>>) target_semaphore(%arg12 : memref<!tpu.dma_semaphore, #tpu.memory_space<semaphore_mem>>)
    %dma_wait3A_307 = arith.constant 1 : i32
    %dma_wait3A_308 = arith.constant 0 : i32
    %dma_wait3A_309 = tpu.memref_slice %arg7[%dma_wait3A_307, %dma_wait3A_308] : memref<2x4096xf32, #tpu.memory_space<vmem>> -> memref<1x4096xf32, #tpu.memory_space<vmem>>
    %dma_wait3A_310 = tpu.memref_squeeze %dma_wait3A_309 : memref<1x4096xf32, #tpu.memory_space<vmem>> -> memref<4096xf32, #tpu.memory_space<vmem>>
    %dma_wait3A_311 = arith.constant 4096 : i32
    %dma_wait3A_312 = tpu.memref_slice %arg4[%add3A_239, %dma_wait3A_311] : memref<96x16384xf32, #tpu.memory_space<hbm>> -> memref<1x4096xf32, #tpu.memory_space<hbm>>
    %dma_wait3A_313 = tpu.memref_squeeze %dma_wait3A_312 : memref<1x4096xf32, #tpu.memory_space<hbm>> -> memref<4096xf32, #tpu.memory_space<hbm>>
    %dma_wait3A_314 = arith.constant 4096 : i32
    %dma_wait3A_315 = tpu.memref_slice %arg4[%add3A_239, %dma_wait3A_314] : memref<96x16384xf32, #tpu.memory_space<hbm>> -> memref<1x4096xf32, #tpu.memory_space<hbm>>
    %dma_wait3A_316 = tpu.memref_squeeze %dma_wait3A_315 : memref<1x4096xf32, #tpu.memory_space<hbm>> -> memref<4096xf32, #tpu.memory_space<hbm>>
    %dma_wait3A_317 = arith.constant 0 : i32
    %dma_wait3A_318 = tpu.memref_slice %arg7[%dma_wait3A_307, %dma_wait3A_317] : memref<2x4096xf32, #tpu.memory_space<vmem>> -> memref<1x4096xf32, #tpu.memory_space<vmem>>
    %dma_wait3A_319 = tpu.memref_squeeze %dma_wait3A_318 : memref<1x4096xf32, #tpu.memory_space<vmem>> -> memref<4096xf32, #tpu.memory_space<vmem>>
    tpu.wait_dma2 semaphore(%arg13 : memref<!tpu.dma_semaphore, #tpu.memory_space<semaphore_mem>>) src(%dma_wait3A_319 : memref<4096xf32, #tpu.memory_space<vmem>>) dst(%dma_wait3A_316 : memref<4096xf32, #tpu.memory_space<hbm>>)
    %parallel_loop3A_320 = arith.constant 0 : i32
    %parallel_loop3A_321 = arith.constant 4096 : i32
    %parallel_loop3A_322 = arith.constant 16 : i32
    scf.for %parallel_loop3A_494 = %parallel_loop3A_320 to %parallel_loop3A_321 step %parallel_loop3A_322  : i32 {
      %parallel_loop3A_495 = arith.constant 12288 : i32
      %parallel_loop3A_496 = arith.addi %parallel_loop3A_495, %parallel_loop3A_494 : i32
      %parallel_loop3A_497 = arith.index_cast %parallel_loop3A_496 : i32 to index
      %parallel_loop3A_498 = tpu.vector_load %arg6[%parallel_loop3A_497] {strides = array<i32>} : memref<16384xi32, #tpu.memory_space<vmem>>, vector<16xi32>,
      %parallel_loop3A_499 = tpu.vector_load_idx %arg5[%parallel_loop3A_498] : memref<100000xf32, #tpu.memory_space<vmem>>[vector<16xi32>], vector<16xf32>,
      %parallel_loop3A_500 = arith.constant 1 : i32
      %parallel_loop3A_501 = arith.index_cast %parallel_loop3A_500 : i32 to index
      %parallel_loop3A_502 = arith.index_cast %parallel_loop3A_494 : i32 to index
      %parallel_loop3A_503 = tpu.vector_load %arg7[%parallel_loop3A_501, %parallel_loop3A_502] {strides = array<i32>} : memref<2x4096xf32, #tpu.memory_space<vmem>>, vector<16xf32>,
      tpu.vector_store %arg7[%parallel_loop3A_501, %parallel_loop3A_502], %parallel_loop3A_499 {strides = array<i32>} : memref<2x4096xf32, #tpu.memory_space<vmem>>, vector<16xf32>,
    } {sc.loop_unroll_factor = 8 : i64, sc.parallel_access}
    %add3A_323 = arith.constant 1 : i32
    %add3A_324 = arith.addi %add3A_239, %add3A_323 : i32
    %dma_start3A_325 = arith.constant 0 : i32
    %dma_start3A_326 = tpu.memref_slice %arg3[%add3A_324, %dma_start3A_325] : memref<64x100000xf32, #tpu.memory_space<hbm>> -> memref<1x100000xf32, #tpu.memory_space<hbm>>
    %dma_start3A_327 = tpu.memref_squeeze %dma_start3A_326 : memref<1x100000xf32, #tpu.memory_space<hbm>> -> memref<100000xf32, #tpu.memory_space<hbm>>
    %dma_start3A_328 = arith.constant 0 : i32
    %dma_start3A_329 = tpu.memref_slice %arg3[%add3A_324, %dma_start3A_328] : memref<64x100000xf32, #tpu.memory_space<hbm>> -> memref<1x100000xf32, #tpu.memory_space<hbm>>
    %dma_start3A_330 = tpu.memref_squeeze %dma_start3A_329 : memref<1x100000xf32, #tpu.memory_space<hbm>> -> memref<100000xf32, #tpu.memory_space<hbm>>
    tpu.enqueue_dma source(%dma_start3A_330 : memref<100000xf32, #tpu.memory_space<hbm>>) target(%arg5 : memref<100000xf32, #tpu.memory_space<vmem>>) target_semaphore(%arg9 : memref<!tpu.dma_semaphore, #tpu.memory_space<semaphore_mem>>)
    %dma_start3A_331 = arith.constant 1 : i32
    %dma_start3A_332 = arith.constant 0 : i32
    %dma_start3A_333 = tpu.memref_slice %arg7[%dma_start3A_331, %dma_start3A_332] : memref<2x4096xf32, #tpu.memory_space<vmem>> -> memref<1x4096xf32, #tpu.memory_space<vmem>>
    %dma_start3A_334 = tpu.memref_squeeze %dma_start3A_333 : memref<1x4096xf32, #tpu.memory_space<vmem>> -> memref<4096xf32, #tpu.memory_space<vmem>>
    %dma_start3A_335 = arith.constant 12288 : i32
    %dma_start3A_336 = tpu.memref_slice %arg4[%add3A_239, %dma_start3A_335] : memref<96x16384xf32, #tpu.memory_space<hbm>> -> memref<1x4096xf32, #tpu.memory_space<hbm>>
    %dma_start3A_337 = tpu.memref_squeeze %dma_start3A_336 : memref<1x4096xf32, #tpu.memory_space<hbm>> -> memref<4096xf32, #tpu.memory_space<hbm>>
    %dma_start3A_338 = arith.constant 12288 : i32
    %dma_start3A_339 = tpu.memref_slice %arg4[%add3A_239, %dma_start3A_338] : memref<96x16384xf32, #tpu.memory_space<hbm>> -> memref<1x4096xf32, #tpu.memory_space<hbm>>
    %dma_start3A_340 = tpu.memref_squeeze %dma_start3A_339 : memref<1x4096xf32, #tpu.memory_space<hbm>> -> memref<4096xf32, #tpu.memory_space<hbm>>
    %dma_start3A_341 = arith.constant 0 : i32
    %dma_start3A_342 = tpu.memref_slice %arg7[%dma_start3A_331, %dma_start3A_341] : memref<2x4096xf32, #tpu.memory_space<vmem>> -> memref<1x4096xf32, #tpu.memory_space<vmem>>
    %dma_start3A_343 = tpu.memref_squeeze %dma_start3A_342 : memref<1x4096xf32, #tpu.memory_space<vmem>> -> memref<4096xf32, #tpu.memory_space<vmem>>
    tpu.enqueue_dma source(%dma_start3A_343 : memref<4096xf32, #tpu.memory_space<vmem>>) target(%dma_start3A_340 : memref<4096xf32, #tpu.memory_space<hbm>>) target_semaphore(%arg13 : memref<!tpu.dma_semaphore, #tpu.memory_space<semaphore_mem>>)
    %add3A_344 = arith.constant 1 : i32
    %add3A_345 = arith.addi %mul3A_2, %add3A_344 : i32
    %dma_wait3A_346 = arith.constant 0 : i32
    %dma_wait3A_347 = tpu.memref_slice %arg3[%add3A_324, %dma_wait3A_346] : memref<64x100000xf32, #tpu.memory_space<hbm>> -> memref<1x100000xf32, #tpu.memory_space<hbm>>
    %dma_wait3A_348 = tpu.memref_squeeze %dma_wait3A_347 : memref<1x100000xf32, #tpu.memory_space<hbm>> -> memref<100000xf32, #tpu.memory_space<hbm>>
    %dma_wait3A_349 = arith.constant 0 : i32
    %dma_wait3A_350 = tpu.memref_slice %arg3[%add3A_324, %dma_wait3A_349] : memref<64x100000xf32, #tpu.memory_space<hbm>> -> memref<1x100000xf32, #tpu.memory_space<hbm>>
    %dma_wait3A_351 = tpu.memref_squeeze %dma_wait3A_350 : memref<1x100000xf32, #tpu.memory_space<hbm>> -> memref<100000xf32, #tpu.memory_space<hbm>>
    tpu.wait_dma2 semaphore(%arg9 : memref<!tpu.dma_semaphore, #tpu.memory_space<semaphore_mem>>) src(%dma_wait3A_351 : memref<100000xf32, #tpu.memory_space<hbm>>) dst(%arg5 : memref<100000xf32, #tpu.memory_space<vmem>>)
    %dma_wait3A_352 = arith.constant 0 : i32
    %dma_wait3A_353 = arith.constant 0 : i32
    %dma_wait3A_354 = tpu.memref_slice %arg7[%dma_wait3A_352, %dma_wait3A_353] : memref<2x4096xf32, #tpu.memory_space<vmem>> -> memref<1x4096xf32, #tpu.memory_space<vmem>>
    %dma_wait3A_355 = tpu.memref_squeeze %dma_wait3A_354 : memref<1x4096xf32, #tpu.memory_space<vmem>> -> memref<4096xf32, #tpu.memory_space<vmem>>
    %dma_wait3A_356 = arith.constant 8192 : i32
    %dma_wait3A_357 = tpu.memref_slice %arg4[%add3A_239, %dma_wait3A_356] : memref<96x16384xf32, #tpu.memory_space<hbm>> -> memref<1x4096xf32, #tpu.memory_space<hbm>>
    %dma_wait3A_358 = tpu.memref_squeeze %dma_wait3A_357 : memref<1x4096xf32, #tpu.memory_space<hbm>> -> memref<4096xf32, #tpu.memory_space<hbm>>
    %dma_wait3A_359 = arith.constant 8192 : i32
    %dma_wait3A_360 = tpu.memref_slice %arg4[%add3A_239, %dma_wait3A_359] : memref<96x16384xf32, #tpu.memory_space<hbm>> -> memref<1x4096xf32, #tpu.memory_space<hbm>>
    %dma_wait3A_361 = tpu.memref_squeeze %dma_wait3A_360 : memref<1x4096xf32, #tpu.memory_space<hbm>> -> memref<4096xf32, #tpu.memory_space<hbm>>
    %dma_wait3A_362 = arith.constant 0 : i32
    %dma_wait3A_363 = tpu.memref_slice %arg7[%dma_wait3A_352, %dma_wait3A_362] : memref<2x4096xf32, #tpu.memory_space<vmem>> -> memref<1x4096xf32, #tpu.memory_space<vmem>>
    %dma_wait3A_364 = tpu.memref_squeeze %dma_wait3A_363 : memref<1x4096xf32, #tpu.memory_space<vmem>> -> memref<4096xf32, #tpu.memory_space<vmem>>
    tpu.wait_dma2 semaphore(%arg12 : memref<!tpu.dma_semaphore, #tpu.memory_space<semaphore_mem>>) src(%dma_wait3A_364 : memref<4096xf32, #tpu.memory_space<vmem>>) dst(%dma_wait3A_361 : memref<4096xf32, #tpu.memory_space<hbm>>)
    %parallel_loop3A_365 = arith.constant 0 : i32
    %parallel_loop3A_366 = arith.constant 4096 : i32
    %parallel_loop3A_367 = arith.constant 16 : i32
    scf.for %parallel_loop3A_494 = %parallel_loop3A_365 to %parallel_loop3A_366 step %parallel_loop3A_367  : i32 {
      %parallel_loop3A_495 = arith.constant 0 : i32
      %parallel_loop3A_496 = arith.addi %parallel_loop3A_495, %parallel_loop3A_494 : i32
      %parallel_loop3A_497 = arith.index_cast %parallel_loop3A_496 : i32 to index
      %parallel_loop3A_498 = tpu.vector_load %arg6[%parallel_loop3A_497] {strides = array<i32>} : memref<16384xi32, #tpu.memory_space<vmem>>, vector<16xi32>,
      %parallel_loop3A_499 = tpu.vector_load_idx %arg5[%parallel_loop3A_498] : memref<100000xf32, #tpu.memory_space<vmem>>[vector<16xi32>], vector<16xf32>,
      %parallel_loop3A_500 = arith.constant 0 : i32
      %parallel_loop3A_501 = arith.index_cast %parallel_loop3A_500 : i32 to index
      %parallel_loop3A_502 = arith.index_cast %parallel_loop3A_494 : i32 to index
      %parallel_loop3A_503 = tpu.vector_load %arg7[%parallel_loop3A_501, %parallel_loop3A_502] {strides = array<i32>} : memref<2x4096xf32, #tpu.memory_space<vmem>>, vector<16xf32>,
      tpu.vector_store %arg7[%parallel_loop3A_501, %parallel_loop3A_502], %parallel_loop3A_499 {strides = array<i32>} : memref<2x4096xf32, #tpu.memory_space<vmem>>, vector<16xf32>,
    } {sc.loop_unroll_factor = 8 : i64, sc.parallel_access}
    %dma_start3A_368 = arith.constant 0 : i32
    %dma_start3A_369 = arith.constant 0 : i32
    %dma_start3A_370 = tpu.memref_slice %arg7[%dma_start3A_368, %dma_start3A_369] : memref<2x4096xf32, #tpu.memory_space<vmem>> -> memref<1x4096xf32, #tpu.memory_space<vmem>>
    %dma_start3A_371 = tpu.memref_squeeze %dma_start3A_370 : memref<1x4096xf32, #tpu.memory_space<vmem>> -> memref<4096xf32, #tpu.memory_space<vmem>>
    %dma_start3A_372 = arith.constant 0 : i32
    %dma_start3A_373 = tpu.memref_slice %arg4[%add3A_345, %dma_start3A_372] : memref<96x16384xf32, #tpu.memory_space<hbm>> -> memref<1x4096xf32, #tpu.memory_space<hbm>>
    %dma_start3A_374 = tpu.memref_squeeze %dma_start3A_373 : memref<1x4096xf32, #tpu.memory_space<hbm>> -> memref<4096xf32, #tpu.memory_space<hbm>>
    %dma_start3A_375 = arith.constant 0 : i32
    %dma_start3A_376 = tpu.memref_slice %arg4[%add3A_345, %dma_start3A_375] : memref<96x16384xf32, #tpu.memory_space<hbm>> -> memref<1x4096xf32, #tpu.memory_space<hbm>>
    %dma_start3A_377 = tpu.memref_squeeze %dma_start3A_376 : memref<1x4096xf32, #tpu.memory_space<hbm>> -> memref<4096xf32, #tpu.memory_space<hbm>>
    %dma_start3A_378 = arith.constant 0 : i32
    %dma_start3A_379 = tpu.memref_slice %arg7[%dma_start3A_368, %dma_start3A_378] : memref<2x4096xf32, #tpu.memory_space<vmem>> -> memref<1x4096xf32, #tpu.memory_space<vmem>>
    %dma_start3A_380 = tpu.memref_squeeze %dma_start3A_379 : memref<1x4096xf32, #tpu.memory_space<vmem>> -> memref<4096xf32, #tpu.memory_space<vmem>>
    tpu.enqueue_dma source(%dma_start3A_380 : memref<4096xf32, #tpu.memory_space<vmem>>) target(%dma_start3A_377 : memref<4096xf32, #tpu.memory_space<hbm>>) target_semaphore(%arg12 : memref<!tpu.dma_semaphore, #tpu.memory_space<semaphore_mem>>)
    %dma_wait3A_381 = arith.constant 1 : i32
    %dma_wait3A_382 = arith.constant 0 : i32
    %dma_wait3A_383 = tpu.memref_slice %arg7[%dma_wait3A_381, %dma_wait3A_382] : memref<2x4096xf32, #tpu.memory_space<vmem>> -> memref<1x4096xf32, #tpu.memory_space<vmem>>
    %dma_wait3A_384 = tpu.memref_squeeze %dma_wait3A_383 : memref<1x4096xf32, #tpu.memory_space<vmem>> -> memref<4096xf32, #tpu.memory_space<vmem>>
    %dma_wait3A_385 = arith.constant 12288 : i32
    %dma_wait3A_386 = tpu.memref_slice %arg4[%add3A_239, %dma_wait3A_385] : memref<96x16384xf32, #tpu.memory_space<hbm>> -> memref<1x4096xf32, #tpu.memory_space<hbm>>
    %dma_wait3A_387 = tpu.memref_squeeze %dma_wait3A_386 : memref<1x4096xf32, #tpu.memory_space<hbm>> -> memref<4096xf32, #tpu.memory_space<hbm>>
    %dma_wait3A_388 = arith.constant 12288 : i32
    %dma_wait3A_389 = tpu.memref_slice %arg4[%add3A_239, %dma_wait3A_388] : memref<96x16384xf32, #tpu.memory_space<hbm>> -> memref<1x4096xf32, #tpu.memory_space<hbm>>
    %dma_wait3A_390 = tpu.memref_squeeze %dma_wait3A_389 : memref<1x4096xf32, #tpu.memory_space<hbm>> -> memref<4096xf32, #tpu.memory_space<hbm>>
    %dma_wait3A_391 = arith.constant 0 : i32
    %dma_wait3A_392 = tpu.memref_slice %arg7[%dma_wait3A_381, %dma_wait3A_391] : memref<2x4096xf32, #tpu.memory_space<vmem>> -> memref<1x4096xf32, #tpu.memory_space<vmem>>
    %dma_wait3A_393 = tpu.memref_squeeze %dma_wait3A_392 : memref<1x4096xf32, #tpu.memory_space<vmem>> -> memref<4096xf32, #tpu.memory_space<vmem>>
    tpu.wait_dma2 semaphore(%arg13 : memref<!tpu.dma_semaphore, #tpu.memory_space<semaphore_mem>>) src(%dma_wait3A_393 : memref<4096xf32, #tpu.memory_space<vmem>>) dst(%dma_wait3A_390 : memref<4096xf32, #tpu.memory_space<hbm>>)
    %parallel_loop3A_394 = arith.constant 0 : i32
    %parallel_loop3A_395 = arith.constant 4096 : i32
    %parallel_loop3A_396 = arith.constant 16 : i32
    scf.for %parallel_loop3A_494 = %parallel_loop3A_394 to %parallel_loop3A_395 step %parallel_loop3A_396  : i32 {
      %parallel_loop3A_495 = arith.constant 4096 : i32
      %parallel_loop3A_496 = arith.addi %parallel_loop3A_495, %parallel_loop3A_494 : i32
      %parallel_loop3A_497 = arith.index_cast %parallel_loop3A_496 : i32 to index
      %parallel_loop3A_498 = tpu.vector_load %arg6[%parallel_loop3A_497] {strides = array<i32>} : memref<16384xi32, #tpu.memory_space<vmem>>, vector<16xi32>,
      %parallel_loop3A_499 = tpu.vector_load_idx %arg5[%parallel_loop3A_498] : memref<100000xf32, #tpu.memory_space<vmem>>[vector<16xi32>], vector<16xf32>,
      %parallel_loop3A_500 = arith.constant 1 : i32
      %parallel_loop3A_501 = arith.index_cast %parallel_loop3A_500 : i32 to index
      %parallel_loop3A_502 = arith.index_cast %parallel_loop3A_494 : i32 to index
      %parallel_loop3A_503 = tpu.vector_load %arg7[%parallel_loop3A_501, %parallel_loop3A_502] {strides = array<i32>} : memref<2x4096xf32, #tpu.memory_space<vmem>>, vector<16xf32>,
      tpu.vector_store %arg7[%parallel_loop3A_501, %parallel_loop3A_502], %parallel_loop3A_499 {strides = array<i32>} : memref<2x4096xf32, #tpu.memory_space<vmem>>, vector<16xf32>,
    } {sc.loop_unroll_factor = 8 : i64, sc.parallel_access}
    %dma_start3A_397 = arith.constant 1 : i32
    %dma_start3A_398 = arith.constant 0 : i32
    %dma_start3A_399 = tpu.memref_slice %arg7[%dma_start3A_397, %dma_start3A_398] : memref<2x4096xf32, #tpu.memory_space<vmem>> -> memref<1x4096xf32, #tpu.memory_space<vmem>>
    %dma_start3A_400 = tpu.memref_squeeze %dma_start3A_399 : memref<1x4096xf32, #tpu.memory_space<vmem>> -> memref<4096xf32, #tpu.memory_space<vmem>>
    %dma_start3A_401 = arith.constant 4096 : i32
    %dma_start3A_402 = tpu.memref_slice %arg4[%add3A_345, %dma_start3A_401] : memref<96x16384xf32, #tpu.memory_space<hbm>> -> memref<1x4096xf32, #tpu.memory_space<hbm>>
    %dma_start3A_403 = tpu.memref_squeeze %dma_start3A_402 : memref<1x4096xf32, #tpu.memory_space<hbm>> -> memref<4096xf32, #tpu.memory_space<hbm>>
    %dma_start3A_404 = arith.constant 4096 : i32
    %dma_start3A_405 = tpu.memref_slice %arg4[%add3A_345, %dma_start3A_404] : memref<96x16384xf32, #tpu.memory_space<hbm>> -> memref<1x4096xf32, #tpu.memory_space<hbm>>
    %dma_start3A_406 = tpu.memref_squeeze %dma_start3A_405 : memref<1x4096xf32, #tpu.memory_space<hbm>> -> memref<4096xf32, #tpu.memory_space<hbm>>
    %dma_start3A_407 = arith.constant 0 : i32
    %dma_start3A_408 = tpu.memref_slice %arg7[%dma_start3A_397, %dma_start3A_407] : memref<2x4096xf32, #tpu.memory_space<vmem>> -> memref<1x4096xf32, #tpu.memory_space<vmem>>
    %dma_start3A_409 = tpu.memref_squeeze %dma_start3A_408 : memref<1x4096xf32, #tpu.memory_space<vmem>> -> memref<4096xf32, #tpu.memory_space<vmem>>
    tpu.enqueue_dma source(%dma_start3A_409 : memref<4096xf32, #tpu.memory_space<vmem>>) target(%dma_start3A_406 : memref<4096xf32, #tpu.memory_space<hbm>>) target_semaphore(%arg13 : memref<!tpu.dma_semaphore, #tpu.memory_space<semaphore_mem>>)
    %dma_wait3A_410 = arith.constant 0 : i32
    %dma_wait3A_411 = arith.constant 0 : i32
    %dma_wait3A_412 = tpu.memref_slice %arg7[%dma_wait3A_410, %dma_wait3A_411] : memref<2x4096xf32, #tpu.memory_space<vmem>> -> memref<1x4096xf32, #tpu.memory_space<vmem>>
    %dma_wait3A_413 = tpu.memref_squeeze %dma_wait3A_412 : memref<1x4096xf32, #tpu.memory_space<vmem>> -> memref<4096xf32, #tpu.memory_space<vmem>>
    %dma_wait3A_414 = arith.constant 0 : i32
    %dma_wait3A_415 = tpu.memref_slice %arg4[%add3A_345, %dma_wait3A_414] : memref<96x16384xf32, #tpu.memory_space<hbm>> -> memref<1x4096xf32, #tpu.memory_space<hbm>>
    %dma_wait3A_416 = tpu.memref_squeeze %dma_wait3A_415 : memref<1x4096xf32, #tpu.memory_space<hbm>> -> memref<4096xf32, #tpu.memory_space<hbm>>
    %dma_wait3A_417 = arith.constant 0 : i32
    %dma_wait3A_418 = tpu.memref_slice %arg4[%add3A_345, %dma_wait3A_417] : memref<96x16384xf32, #tpu.memory_space<hbm>> -> memref<1x4096xf32, #tpu.memory_space<hbm>>
    %dma_wait3A_419 = tpu.memref_squeeze %dma_wait3A_418 : memref<1x4096xf32, #tpu.memory_space<hbm>> -> memref<4096xf32, #tpu.memory_space<hbm>>
    %dma_wait3A_420 = arith.constant 0 : i32
    %dma_wait3A_421 = tpu.memref_slice %arg7[%dma_wait3A_410, %dma_wait3A_420] : memref<2x4096xf32, #tpu.memory_space<vmem>> -> memref<1x4096xf32, #tpu.memory_space<vmem>>
    %dma_wait3A_422 = tpu.memref_squeeze %dma_wait3A_421 : memref<1x4096xf32, #tpu.memory_space<vmem>> -> memref<4096xf32, #tpu.memory_space<vmem>>
    tpu.wait_dma2 semaphore(%arg12 : memref<!tpu.dma_semaphore, #tpu.memory_space<semaphore_mem>>) src(%dma_wait3A_422 : memref<4096xf32, #tpu.memory_space<vmem>>) dst(%dma_wait3A_419 : memref<4096xf32, #tpu.memory_space<hbm>>)
    %parallel_loop3A_423 = arith.constant 0 : i32
    %parallel_loop3A_424 = arith.constant 4096 : i32
    %parallel_loop3A_425 = arith.constant 16 : i32
    scf.for %parallel_loop3A_494 = %parallel_loop3A_423 to %parallel_loop3A_424 step %parallel_loop3A_425  : i32 {
      %parallel_loop3A_495 = arith.constant 8192 : i32
      %parallel_loop3A_496 = arith.addi %parallel_loop3A_495, %parallel_loop3A_494 : i32
      %parallel_loop3A_497 = arith.index_cast %parallel_loop3A_496 : i32 to index
      %parallel_loop3A_498 = tpu.vector_load %arg6[%parallel_loop3A_497] {strides = array<i32>} : memref<16384xi32, #tpu.memory_space<vmem>>, vector<16xi32>,
      %parallel_loop3A_499 = tpu.vector_load_idx %arg5[%parallel_loop3A_498] : memref<100000xf32, #tpu.memory_space<vmem>>[vector<16xi32>], vector<16xf32>,
      %parallel_loop3A_500 = arith.constant 0 : i32
      %parallel_loop3A_501 = arith.index_cast %parallel_loop3A_500 : i32 to index
      %parallel_loop3A_502 = arith.index_cast %parallel_loop3A_494 : i32 to index
      %parallel_loop3A_503 = tpu.vector_load %arg7[%parallel_loop3A_501, %parallel_loop3A_502] {strides = array<i32>} : memref<2x4096xf32, #tpu.memory_space<vmem>>, vector<16xf32>,
      tpu.vector_store %arg7[%parallel_loop3A_501, %parallel_loop3A_502], %parallel_loop3A_499 {strides = array<i32>} : memref<2x4096xf32, #tpu.memory_space<vmem>>, vector<16xf32>,
    } {sc.loop_unroll_factor = 8 : i64, sc.parallel_access}
    %dma_start3A_426 = arith.constant 0 : i32
    %dma_start3A_427 = arith.constant 0 : i32
    %dma_start3A_428 = tpu.memref_slice %arg7[%dma_start3A_426, %dma_start3A_427] : memref<2x4096xf32, #tpu.memory_space<vmem>> -> memref<1x4096xf32, #tpu.memory_space<vmem>>
    %dma_start3A_429 = tpu.memref_squeeze %dma_start3A_428 : memref<1x4096xf32, #tpu.memory_space<vmem>> -> memref<4096xf32, #tpu.memory_space<vmem>>
    %dma_start3A_430 = arith.constant 8192 : i32
    %dma_start3A_431 = tpu.memref_slice %arg4[%add3A_345, %dma_start3A_430] : memref<96x16384xf32, #tpu.memory_space<hbm>> -> memref<1x4096xf32, #tpu.memory_space<hbm>>
    %dma_start3A_432 = tpu.memref_squeeze %dma_start3A_431 : memref<1x4096xf32, #tpu.memory_space<hbm>> -> memref<4096xf32, #tpu.memory_space<hbm>>
    %dma_start3A_433 = arith.constant 8192 : i32
    %dma_start3A_434 = tpu.memref_slice %arg4[%add3A_345, %dma_start3A_433] : memref<96x16384xf32, #tpu.memory_space<hbm>> -> memref<1x4096xf32, #tpu.memory_space<hbm>>
    %dma_start3A_435 = tpu.memref_squeeze %dma_start3A_434 : memref<1x4096xf32, #tpu.memory_space<hbm>> -> memref<4096xf32, #tpu.memory_space<hbm>>
    %dma_start3A_436 = arith.constant 0 : i32
    %dma_start3A_437 = tpu.memref_slice %arg7[%dma_start3A_426, %dma_start3A_436] : memref<2x4096xf32, #tpu.memory_space<vmem>> -> memref<1x4096xf32, #tpu.memory_space<vmem>>
    %dma_start3A_438 = tpu.memref_squeeze %dma_start3A_437 : memref<1x4096xf32, #tpu.memory_space<vmem>> -> memref<4096xf32, #tpu.memory_space<vmem>>
    tpu.enqueue_dma source(%dma_start3A_438 : memref<4096xf32, #tpu.memory_space<vmem>>) target(%dma_start3A_435 : memref<4096xf32, #tpu.memory_space<hbm>>) target_semaphore(%arg12 : memref<!tpu.dma_semaphore, #tpu.memory_space<semaphore_mem>>)
    %dma_wait3A_439 = arith.constant 1 : i32
    %dma_wait3A_440 = arith.constant 0 : i32
    %dma_wait3A_441 = tpu.memref_slice %arg7[%dma_wait3A_439, %dma_wait3A_440] : memref<2x4096xf32, #tpu.memory_space<vmem>> -> memref<1x4096xf32, #tpu.memory_space<vmem>>
    %dma_wait3A_442 = tpu.memref_squeeze %dma_wait3A_441 : memref<1x4096xf32, #tpu.memory_space<vmem>> -> memref<4096xf32, #tpu.memory_space<vmem>>
    %dma_wait3A_443 = arith.constant 4096 : i32
    %dma_wait3A_444 = tpu.memref_slice %arg4[%add3A_345, %dma_wait3A_443] : memref<96x16384xf32, #tpu.memory_space<hbm>> -> memref<1x4096xf32, #tpu.memory_space<hbm>>
    %dma_wait3A_445 = tpu.memref_squeeze %dma_wait3A_444 : memref<1x4096xf32, #tpu.memory_space<hbm>> -> memref<4096xf32, #tpu.memory_space<hbm>>
    %dma_wait3A_446 = arith.constant 4096 : i32
    %dma_wait3A_447 = tpu.memref_slice %arg4[%add3A_345, %dma_wait3A_446] : memref<96x16384xf32, #tpu.memory_space<hbm>> -> memref<1x4096xf32, #tpu.memory_space<hbm>>
    %dma_wait3A_448 = tpu.memref_squeeze %dma_wait3A_447 : memref<1x4096xf32, #tpu.memory_space<hbm>> -> memref<4096xf32, #tpu.memory_space<hbm>>
    %dma_wait3A_449 = arith.constant 0 : i32
    %dma_wait3A_450 = tpu.memref_slice %arg7[%dma_wait3A_439, %dma_wait3A_449] : memref<2x4096xf32, #tpu.memory_space<vmem>> -> memref<1x4096xf32, #tpu.memory_space<vmem>>
    %dma_wait3A_451 = tpu.memref_squeeze %dma_wait3A_450 : memref<1x4096xf32, #tpu.memory_space<vmem>> -> memref<4096xf32, #tpu.memory_space<vmem>>
    tpu.wait_dma2 semaphore(%arg13 : memref<!tpu.dma_semaphore, #tpu.memory_space<semaphore_mem>>) src(%dma_wait3A_451 : memref<4096xf32, #tpu.memory_space<vmem>>) dst(%dma_wait3A_448 : memref<4096xf32, #tpu.memory_space<hbm>>)
    %parallel_loop3A_452 = arith.constant 0 : i32
    %parallel_loop3A_453 = arith.constant 4096 : i32
    %parallel_loop3A_454 = arith.constant 16 : i32
    scf.for %parallel_loop3A_494 = %parallel_loop3A_452 to %parallel_loop3A_453 step %parallel_loop3A_454  : i32 {
      %parallel_loop3A_495 = arith.constant 12288 : i32
      %parallel_loop3A_496 = arith.addi %parallel_loop3A_495, %parallel_loop3A_494 : i32
      %parallel_loop3A_497 = arith.index_cast %parallel_loop3A_496 : i32 to index
      %parallel_loop3A_498 = tpu.vector_load %arg6[%parallel_loop3A_497] {strides = array<i32>} : memref<16384xi32, #tpu.memory_space<vmem>>, vector<16xi32>,
      %parallel_loop3A_499 = tpu.vector_load_idx %arg5[%parallel_loop3A_498] : memref<100000xf32, #tpu.memory_space<vmem>>[vector<16xi32>], vector<16xf32>,
      %parallel_loop3A_500 = arith.constant 1 : i32
      %parallel_loop3A_501 = arith.index_cast %parallel_loop3A_500 : i32 to index
      %parallel_loop3A_502 = arith.index_cast %parallel_loop3A_494 : i32 to index
      %parallel_loop3A_503 = tpu.vector_load %arg7[%parallel_loop3A_501, %parallel_loop3A_502] {strides = array<i32>} : memref<2x4096xf32, #tpu.memory_space<vmem>>, vector<16xf32>,
      tpu.vector_store %arg7[%parallel_loop3A_501, %parallel_loop3A_502], %parallel_loop3A_499 {strides = array<i32>} : memref<2x4096xf32, #tpu.memory_space<vmem>>, vector<16xf32>,
    } {sc.loop_unroll_factor = 8 : i64, sc.parallel_access}
    %dma_start3A_455 = arith.constant 1 : i32
    %dma_start3A_456 = arith.constant 0 : i32
    %dma_start3A_457 = tpu.memref_slice %arg7[%dma_start3A_455, %dma_start3A_456] : memref<2x4096xf32, #tpu.memory_space<vmem>> -> memref<1x4096xf32, #tpu.memory_space<vmem>>
    %dma_start3A_458 = tpu.memref_squeeze %dma_start3A_457 : memref<1x4096xf32, #tpu.memory_space<vmem>> -> memref<4096xf32, #tpu.memory_space<vmem>>
    %dma_start3A_459 = arith.constant 12288 : i32
    %dma_start3A_460 = tpu.memref_slice %arg4[%add3A_345, %dma_start3A_459] : memref<96x16384xf32, #tpu.memory_space<hbm>> -> memref<1x4096xf32, #tpu.memory_space<hbm>>
    %dma_start3A_461 = tpu.memref_squeeze %dma_start3A_460 : memref<1x4096xf32, #tpu.memory_space<hbm>> -> memref<4096xf32, #tpu.memory_space<hbm>>
    %dma_start3A_462 = arith.constant 12288 : i32
    %dma_start3A_463 = tpu.memref_slice %arg4[%add3A_345, %dma_start3A_462] : memref<96x16384xf32, #tpu.memory_space<hbm>> -> memref<1x4096xf32, #tpu.memory_space<hbm>>
    %dma_start3A_464 = tpu.memref_squeeze %dma_start3A_463 : memref<1x4096xf32, #tpu.memory_space<hbm>> -> memref<4096xf32, #tpu.memory_space<hbm>>
    %dma_start3A_465 = arith.constant 0 : i32
    %dma_start3A_466 = tpu.memref_slice %arg7[%dma_start3A_455, %dma_start3A_465] : memref<2x4096xf32, #tpu.memory_space<vmem>> -> memref<1x4096xf32, #tpu.memory_space<vmem>>
    %dma_start3A_467 = tpu.memref_squeeze %dma_start3A_466 : memref<1x4096xf32, #tpu.memory_space<vmem>> -> memref<4096xf32, #tpu.memory_space<vmem>>
    tpu.enqueue_dma source(%dma_start3A_467 : memref<4096xf32, #tpu.memory_space<vmem>>) target(%dma_start3A_464 : memref<4096xf32, #tpu.memory_space<hbm>>) target_semaphore(%arg13 : memref<!tpu.dma_semaphore, #tpu.memory_space<semaphore_mem>>)
    %dma_wait3A_468 = arith.constant 0 : i32
    %dma_wait3A_469 = arith.constant 0 : i32
    %dma_wait3A_470 = tpu.memref_slice %arg7[%dma_wait3A_468, %dma_wait3A_469] : memref<2x4096xf32, #tpu.memory_space<vmem>> -> memref<1x4096xf32, #tpu.memory_space<vmem>>
    %dma_wait3A_471 = tpu.memref_squeeze %dma_wait3A_470 : memref<1x4096xf32, #tpu.memory_space<vmem>> -> memref<4096xf32, #tpu.memory_space<vmem>>
    %dma_wait3A_472 = arith.constant 8192 : i32
    %dma_wait3A_473 = tpu.memref_slice %arg4[%add3A_345, %dma_wait3A_472] : memref<96x16384xf32, #tpu.memory_space<hbm>> -> memref<1x4096xf32, #tpu.memory_space<hbm>>
    %dma_wait3A_474 = tpu.memref_squeeze %dma_wait3A_473 : memref<1x4096xf32, #tpu.memory_space<hbm>> -> memref<4096xf32, #tpu.memory_space<hbm>>
    %dma_wait3A_475 = arith.constant 8192 : i32
    %dma_wait3A_476 = tpu.memref_slice %arg4[%add3A_345, %dma_wait3A_475] : memref<96x16384xf32, #tpu.memory_space<hbm>> -> memref<1x4096xf32, #tpu.memory_space<hbm>>
    %dma_wait3A_477 = tpu.memref_squeeze %dma_wait3A_476 : memref<1x4096xf32, #tpu.memory_space<hbm>> -> memref<4096xf32, #tpu.memory_space<hbm>>
    %dma_wait3A_478 = arith.constant 0 : i32
    %dma_wait3A_479 = tpu.memref_slice %arg7[%dma_wait3A_468, %dma_wait3A_478] : memref<2x4096xf32, #tpu.memory_space<vmem>> -> memref<1x4096xf32, #tpu.memory_space<vmem>>
    %dma_wait3A_480 = tpu.memref_squeeze %dma_wait3A_479 : memref<1x4096xf32, #tpu.memory_space<vmem>> -> memref<4096xf32, #tpu.memory_space<vmem>>
    tpu.wait_dma2 semaphore(%arg12 : memref<!tpu.dma_semaphore, #tpu.memory_space<semaphore_mem>>) src(%dma_wait3A_480 : memref<4096xf32, #tpu.memory_space<vmem>>) dst(%dma_wait3A_477 : memref<4096xf32, #tpu.memory_space<hbm>>)
    %dma_wait3A_481 = arith.constant 1 : i32
    %dma_wait3A_482 = arith.constant 0 : i32
    %dma_wait3A_483 = tpu.memref_slice %arg7[%dma_wait3A_481, %dma_wait3A_482] : memref<2x4096xf32, #tpu.memory_space<vmem>> -> memref<1x4096xf32, #tpu.memory_space<vmem>>
    %dma_wait3A_484 = tpu.memref_squeeze %dma_wait3A_483 : memref<1x4096xf32, #tpu.memory_space<vmem>> -> memref<4096xf32, #tpu.memory_space<vmem>>
    %dma_wait3A_485 = arith.constant 12288 : i32
    %dma_wait3A_486 = tpu.memref_slice %arg4[%add3A_345, %dma_wait3A_485] : memref<96x16384xf32, #tpu.memory_space<hbm>> -> memref<1x4096xf32, #tpu.memory_space<hbm>>
    %dma_wait3A_487 = tpu.memref_squeeze %dma_wait3A_486 : memref<1x4096xf32, #tpu.memory_space<hbm>> -> memref<4096xf32, #tpu.memory_space<hbm>>
    %dma_wait3A_488 = arith.constant 12288 : i32
    %dma_wait3A_489 = tpu.memref_slice %arg4[%add3A_345, %dma_wait3A_488] : memref<96x16384xf32, #tpu.memory_space<hbm>> -> memref<1x4096xf32, #tpu.memory_space<hbm>>
    %dma_wait3A_490 = tpu.memref_squeeze %dma_wait3A_489 : memref<1x4096xf32, #tpu.memory_space<hbm>> -> memref<4096xf32, #tpu.memory_space<hbm>>
    %dma_wait3A_491 = arith.constant 0 : i32
    %dma_wait3A_492 = tpu.memref_slice %arg7[%dma_wait3A_481, %dma_wait3A_491] : memref<2x4096xf32, #tpu.memory_space<vmem>> -> memref<1x4096xf32, #tpu.memory_space<vmem>>
    %dma_wait3A_493 = tpu.memref_squeeze %dma_wait3A_492 : memref<1x4096xf32, #tpu.memory_space<vmem>> -> memref<4096xf32, #tpu.memory_space<vmem>>
    tpu.wait_dma2 semaphore(%arg13 : memref<!tpu.dma_semaphore, #tpu.memory_space<semaphore_mem>>) src(%dma_wait3A_493 : memref<4096xf32, #tpu.memory_space<vmem>>) dst(%dma_wait3A_490 : memref<4096xf32, #tpu.memory_space<hbm>>)
    return
  }
}

</mosaic_0001>

<sc_bundles>
// kernel: kernel.3.cloned.1.call-start
scs
__scs_entry_jumppad:
0x0: {  	(pc) =	sbr.rel $0x88, $3  }
0x1: {  	(tag) =	ssettag $0x0;
	lr =	simm.s32 $0x1  }
0x2: {  	[smem:$0x3F9F] =	sst lr;
	_ =	strace $0xD0000000  }
0x3: {  	_ = 	snop  }
0x4: {  	_ = 	snop  }
0x5: {  	_ = 	snop  }
0x6: {  	_ = 	snop  }
0x7: {  	_ = 	snop  }
__scs_overlays_trampoline_lowered:
0x8: {  	[smem:$0x3FAE] =	sst s0  }
0x9: {  	[smem:$0x3FAF] =	sst s1  }
0xa: {  	[smem:$0x3FB0] =	sst s2  }
0xb: {  	[smem:$0x3FB1] =	sst s3  }
0xc: {  	[smem:$0x3FB2] =	sst s4  }
0xd: {  	[smem:$0x3FB3] =	sst s5  }
0xe: {  	[smem:$0x3FB4] =	sst s6  }
0xf: {  	[smem:$0x3FB5] =	sst s7  }
0x10: {  	[smem:$0x3FB6] =	sst s8  }
0x11: {  	[smem:$0x3FB7] =	sst s9;
	s0 =	simm.s32 @!p0 $0x0  }
0x12: {  	s1 =	sld [smem:$0x3F9D];
	s0 =	simm.s32 @p0 $0x1  }
0x13: {  	[smem:$0x3FB8] =	sst s0;
	s0 =	simm.s32 @!p1 $0x0  }
0x14: {  	s2 =	sld [smem:$0x3F9C];
	s0 =	simm.s32 @p1 $0x1  }
0x15: {  	[smem:$0x3FB9] =	sst s0;
	s0 =	simm.s32 @!p2 $0x0  }
0x16: {  	s3 =	sld [smem:$0x3FDB];
	s0 =	simm.s32 @p2 $0x1  }
0x17: {  	s4 =	simm.s32 $0x1BF5;
	[smem:$0x3FBB] =	sst s0  }
0x18: {  	s0 =	sld [smem:$0x3F9E];
	_ =	swait.ge [sflag:s4], $0x0  }
0x19: {  	s7 =	sld [smem:$0x3F9F]  }
0x1a: {  	s8 =	sadd.s32 $0xFFFFE003, lr  }
0x1b: {  	s9 =	sadd.s32 $0xFFFFFEF7, lr;
	s5 =	simm.s32 $0xFFFFFFFF;
	p2 =	slt.u32 s8, $0xFFFFF086  }
0x1c: {  	p1 =	slt.u32 s9, $0xF7A;
	s5 =	simm.s32 @!p2 $0x0  }
0x1d: {  	s5 =	simm.s32 @p1 $0x1;
	p0 =	seq.s32 s7, s2  }
0x1e: {  	s7 =	smul.u32 @!p0 $0xF7A, s2;
	p2 =	seq.s32 @!p0 s5, $0x0  }
0x1f: {  	s9 =	smul.u32 $0xF7A, s1;
	s8 =	simm.s32 @!p0 $0x1BF5;
	p2 =	por !p2, p0  }
0x20: {  	[sflag:s8] =	ssyncset.s32 @!p0 $0xFFFFF086;
	s6 =	sadd.s32 @!p0 s3, s7;
	s7 =	simm.s32 @!p0 $0x108  }
0x21: {  	s3 =	sadd.s32 s3, s9;
	s6 =	sadd.s32 @!p0 $0x88, s6;
	s7 =	simm.s32 @p2 $0x1082  }
0x22: {  	[simem:s7], [sflag:s8] =	dma.local @!p0 [hbm:s6], $0xF7A  }
0x23: {  	s9 =	sor.u32 $0xD0000000, s2;
	s6 =	simm.s32 $0x108;
	_ =	swait.ge @!p0 [sflag:s8], $0x0  }
0x24: {  	s3 =	sadd.s32 $0x88, s3;
	s6 =	simm.s32 @!p1 $0x1082;
	[sflag:s4] =	ssyncset.s32 $0xFFFFF086  }
0x25: {  	[simem:s6], [sflag:s4] =	dma.local [hbm:s3], $0xF7A  }
0x26: {  	[smem:$0x3F9F] =	sst s1;
	(tag) =	ssettag s2;
	_ =	strace s9  }
0x27: {  	s1 =	sld [smem:$0x3FAF]  }
0x28: {  	s2 =	sld [smem:$0x3FB0]  }
0x29: {  	s4 =	sld [smem:$0x3FB2]  }
0x2a: {  	p0 =	seq.s32 s5, $0x0;
	s5 =	sld [smem:$0x3FB3]  }
0x2b: {  	s6 =	sld [smem:$0x3FB4]  }
0x2c: {  	s7 =	sld [smem:$0x3FB5]  }
0x2d: {  	s3 =	simm.s32 $0x108;
	s8 =	sld [smem:$0x3FB6]  }
0x2e: {  	s3 =	simm.s32 @!p0 $0x1082;
	s9 =	sld [smem:$0x3FB7]  }
0x2f: {  	lr =	sadd.s32 s0, s3;
	s0 =	sld [smem:$0x3FAE]  }
0x30: {  	s3 =	sld [smem:$0x3FB1]  }
0x31: {  	[smem:$0x3FBA] =	sst s10  }
0x32: {  	s10 =	sld [smem:$0x3FB8];
	_ =	sdelay $0x3  }
0x33: {  	p0 =	seq.s32 s10, $0x1;
	s10 =	sld [smem:$0x3FBA];
	_ =	sdelay $0x3  }
0x34: {  	[smem:$0x3FBA] =	sst s10  }
0x35: {  	s10 =	sld [smem:$0x3FB9];
	_ =	sdelay $0x3  }
0x36: {  	p1 =	seq.s32 s10, $0x1;
	s10 =	sld [smem:$0x3FBA];
	_ =	sdelay $0x3  }
0x37: {  	[smem:$0x3FBA] =	sst s10  }
0x38: {  	s10 =	sld [smem:$0x3FBB]  }
0x39: {  	_ = 	snop;
	(pc) =	sbr.ind lr, $3  }
0x3a: {  	_ = 	snop  }
0x3b: {  	_ = 	snop  }
0x3c: {  	p2 =	seq.s32 s10, $0x1;
	s10 =	sld [smem:$0x3FBA]  }
0x3d: {  	_ =	shalt  }
0x3e: {  	_ =	shalt  }
0x3f: {  	_ =	shalt  }
0x40: {  	_ =	shalt  }
0x41: {  	_ =	shalt  }
0x42: {  	_ =	shalt  }
0x43: {  	_ =	shalt  }
0x44: {  	_ =	shalt  }
0x45: {  	_ =	shalt  }
0x46: {  	_ =	shalt  }
0x47: {  	_ =	shalt  }
0x48: {  	_ =	shalt  }
0x49: {  	_ =	shalt  }
0x4a: {  	_ =	shalt  }
0x4b: {  	_ =	shalt  }
0x4c: {  	_ =	shalt  }
0x4d: {  	_ =	shalt  }
0x4e: {  	_ =	shalt  }
0x4f: {  	_ =	shalt  }
0x50: {  	_ =	shalt  }
0x51: {  	_ =	shalt  }
0x52: {  	_ =	shalt  }
0x53: {  	_ =	shalt  }
0x54: {  	_ =	shalt  }
0x55: {  	_ =	shalt  }
0x56: {  	_ =	shalt  }
0x57: {  	_ =	shalt  }
0x58: {  	_ =	shalt  }
0x59: {  	_ =	shalt  }
0x5a: {  	_ =	shalt  }
0x5b: {  	_ =	shalt  }
0x5c: {  	_ =	shalt  }
0x5d: {  	_ =	shalt  }
0x5e: {  	_ =	shalt  }
0x5f: {  	_ =	shalt  }
0x60: {  	_ =	shalt  }
0x61: {  	_ =	shalt  }
0x62: {  	_ =	shalt  }
0x63: {  	_ =	shalt  }
0x64: {  	_ =	shalt  }
0x65: {  	_ =	shalt  }
0x66: {  	_ =	shalt  }
0x67: {  	_ =	shalt  }
0x68: {  	_ =	shalt  }
0x69: {  	_ =	shalt  }
0x6a: {  	_ =	shalt  }
0x6b: {  	_ =	shalt  }
0x6c: {  	_ =	shalt  }
0x6d: {  	_ =	shalt  }
0x6e: {  	_ =	shalt  }
0x6f: {  	_ =	shalt  }
0x70: {  	_ =	shalt  }
0x71: {  	_ =	shalt  }
0x72: {  	_ =	shalt  }
0x73: {  	_ =	shalt  }
0x74: {  	_ =	shalt  }
0x75: {  	_ =	shalt  }
0x76: {  	_ =	shalt  }
0x77: {  	_ =	shalt  }
0x78: {  	_ =	shalt  }
0x79: {  	_ =	shalt  }
0x7a: {  	_ =	shalt  }
0x7b: {  	_ =	shalt  }
0x7c: {  	_ =	shalt  }
0x7d: {  	_ =	shalt  }
0x7e: {  	_ =	shalt  }
0x7f: {  	_ =	shalt  }
0x80: {  	_ =	shalt  }
0x81: {  	_ =	shalt  }
0x82: {  	_ =	shalt  }
0x83: {  	_ =	shalt  }
0x84: {  	_ =	shalt  }
0x85: {  	_ =	shalt  }
0x86: {  	_ =	shalt  }
0x87: {  	_ =	shalt  }
.Lfunc_end0:
.L_simem_size_0:
called_computation_lowered:
.L_overlay_start_0:
0x88: {  	s2 =	sld [smem:$0x3FD9]  }
0x89: {  	s3 =	sld [smem:$0x3FFE];
	_ =	sdelay $0x1  }
0x8a: {  	s1 =	srdreg.scid  }
0x8b: {  	s0 =	sand.u32 $0x1, s1  }
0x8c: {  	s18 =	sshll.u32 s0, $0xA;
	s2 =	sadd.s32 s3, s2  }
0x8d: {  	s2 =	sadd.s32 s2, s18  }
0x8e: {  	[smem:$0x3FC6] =	sst s2  }
0x8f: {  	_ = 	snop  }
0x90: {  	s2 =	sld [smem:$0x3FC9]  }
0x91: {  	s19 =	sld [smem:$0x3FC8]  }
0x92: {  	s4 =	sld [smem:$0x3FD0];
	(tm) =	ssettm $0x1  }
0x93: {  	s5 =	sld [smem:$0x3FFB];
	_ =	sdelay $0x3  }
0x94: {  	_ =	strace s5  }
0x95: {  	s5 =	sld [smem:$0x3FFC];
	_ =	sdelay $0x3  }
0x96: {  	_ =	strace s5  }
0x97: {  	s5 =	sld [smem:$0x3FFD];
	_ =	sdelay $0x3  }
0x98: {  	_ =	strace s5  }
0x99: {  	_ =	strace $0x8FFFFFFF  }
0x9a: {  	s20 =	sld [smem:$0x3FDB];
	_ =	sdelay $0x1  }
0x9b: {  	s6 =	simm.s32 $_scs_section_size  }
0x9c: {  	s7 =	simm.s32 $_size__tile_overlayer_lowered;
	s8 =	simm.s32 $_tile_overlayer_lowered  }
0x9d: {  	s23 =	simm.s32 $0x1BFF;
	s22 =	sshll.u32 s8, $0x1;
	s5 =	sadd.s32 s6, s20  }
0x9e: {  	s9 =	simm.s32 $0x0;
	s21 =	sshll.u32 s7, $0x1;
	s7 =	sadd.s32 s22, s5  }
0x9f: {  	[timem:s9], [sflag:s23] =	dma.local [hbm:s7], s21  }
0xa0: {  	_ =	swait.ge [sflag:s23], s21  }
0xa1: {  	s6 =	ssub.s32 $0x0, s21;
	[sflag:s23] =	ssyncset.done $0x0  }
0xa2: {  	[sflag:s23] =	ssyncadd.s32 s6;
	_ =	sdelay $0x1  }
0xa3: {  	s24 =	simm.s32 $0x1B8B  }
0xa4: {  	_ =	swait.ge [sflag:s24], $0x1  }
0xa5: {  	[sflag:s24] =	ssyncset.done $0x0  }
0xa6: {  	s25 =	simm.s32 $0x1B8E;
	[sflag:s24] =	ssyncadd.s32 $0xFFFFFFFF  }
0xa7: {  	s26 =	simm.s32 $execute0_lowered;
	[smem:$0x3FD2] =	sst s25  }
0xa8: {  	s6 =	sshll.u32 s26, $0x1;
	_ =	strace $0x80000046;
	[dreg:$0x1] =	wrdreg $0xFFFFFFFF  }
0xa9: {  	s28 =	simm.s32 $_size_execute0_lowered;
	s5 =	sadd.s32 s5, s6;
	[dreg:$0x0] =	wrdreg $0x0  }
0xaa: {  	s6 =	sshll.u32 s28, $0x1;
	[dreg:$0x2] =	wrdreg s5  }
0xab: {  	[dreg:$0x3] =	wrdreg s6  }
0xac: {  	[dreg:$0x4] =	wrdreg $0xC0  }
0xad: {  	_ =	task [dreg:s9], $0x5FFFF  }
0xae: {  	[dreg:$0x1] =	wrdreg $0xFFFFFFFF  }
0xaf: {  	[dreg:$0x0] =	wrdreg $0x60  }
0xb0: {  	[dreg:$0x2] =	wrdreg s2  }
0xb1: {  	[dreg:$0x3] =	wrdreg s19  }
0xb2: {  	[dreg:$0x4] =	wrdreg s4  }
0xb3: {  	[dreg:$0x5] =	wrdreg $0x1E7000  }
0xb4: {  	[dreg:$0x6] =	wrdreg $0x9  }
0xb5: {  	_ =	task.clear_ibuf [dreg:s9], $0x7FFFF;
	_ =	strace $0x90000046  }
0xb6: {  	s29 =	simm.s32 $0x9;
	_ =	strace $0x80000048  }
0xb7: {  	_ =	swait.ge [sflag:s29], $0x1  }
0xb8: {  	[sflag:s29] =	ssyncadd.s32 $0xFFFFFFFF  }
0xb9: {  	_ =	strace $0x90000048  }
0xba: {  	_ =	sfence  }
0xbb: {  	s30 =	sld [smem:$0x0];
	_ =	sdelay $0x2  }
0xbc: {  	s31 =	sshll.u32 s1, $0xD;
	s1 =	sshrl.u32 s1, $0x2  }
0xbd: {  	s3 =	sand.u32 $0x4000, s31;
	s1 =	sadd.s32 s1, s30  }
0xbe: {  	s0 =	sor.u32 s3, s0;
	s1 =	sshll.u32 s1, $0x11  }
0xbf: {  	s0 =	sor.u32 s1, s0  }
0xc0: {  	s0 =	sadd.s32 $0x8F2B, s0  }
0xc1: {  	[sflag:s0] =	ssyncadd.remote.s32 $0x1  }
0xc2: {  	_ =	sfence.sel $0xFFFF  }
0xc3: {  	[dreg:$0x0] =	wrdreg $0xFFFFFFFF;
	(pc) =	sbr.abs _section_cstart, $3  }
0xc4: {  	[dreg:$0x1] =	wrdreg $0xFFFFFFFF  }
0xc5: {  	_ =	task.clear_ibuf [dreg:s9], $0x2FFFF;
	_ =	strace $0x9FFFFFFF  }
0xc6: {  	(tm) =	ssettm $0x7FFFFFFF  }
0xc7: {  	_ =	shalt  }
tec
execute0_lowered:
.L_overlay_start_1:
0x0: {  	(tag) =	ssettag $0x1  }
0x1: {  	s0 =	rddreg [dreg:$0x0]  }
0x2: {  	s1 =	srdreg.scid;
	s2 =	rddreg [dreg:$0x1]  }
0x3: {  	s10 =	stileid.u32;
	s4 =	rddreg [dreg:$0x2]  }
0x4: {  	s11 =	rddreg [dreg:$0x3];
	s1 =	sand.u32 $0x1, s1;
	s3 =	sshll.u32 s10, $0x1  }
0x5: {  	s6 =	sshrl.u32 s10, $0x1;
	s12 =	sshll.u32 s10, $0xF;
	s10 =	sshll.u32 s10, $0xA  }
0x6: {  	s21 =	sadd.s32 $0x1000, s4;
	s30 =	sadd.s32 $0x3000, s4;
	s5 =	sor.u32 s1, s3  }
0x7: {  	s16 =	smul.u32 $0xC3800, s6;
	s1 =	ssub.s32 $0x2, s1;
	s6 =	sshll.u32 s6, $0x11  }
0x8: {  	s3 =	sshll.u32 s5, $0x8;
	s8 =	sshrl.u32 s1, $0x1;
	s22 =	sadd.s32 $0x1, s5  }
0x9: {  	s23 =	sshll.u32 s5, $0x7;
	s5 =	sadd.s32 s0, s10;
	s10 =	sadd.s32 s10, s11  }
0xa: {  	s15 =	sand.u32 $0x300, s3;
	s3 =	simm.s32 $0x0;
	s1 =	ssub.s32 s1, s8  }
0xb: {  	s24 =	sshll.u32 s22, $0xB;
	s9 =	sor.u32 s12, s23;
	s13 =	sand.u32 $0x380, s23  }
0xc: {  	s31 =	sadd.s32 $0x300, s5;
	s7 =	sor.u32 s16, s15;
	[smem:$0x7FF] =	sst s3  }
0xd: {  	s9 =	sand.u32 $0x60380, s9;
	s13 =	sor.u32 s12, s13;
	s17 =	sor.u32 s6, s15  }
0xe: {  	s29 =	sor.u32 $0x80, s15;
	s7 =	sshrl.u32 s7, $0x3;
	_ =	strace $0x80000047  }
0xf: {  	s9 =	sshrl.u32 s9, $0x3;
	[dreg:$0x6] =	wrdreg s10;
	s26 =	sshrl.u32 s13, $0x3  }
0x10: {  	s28 =	sshrl.u32 s17, $0x3;
	s18 =	sor.u32 s16, s29;
	s6 =	sor.u32 s6, s29  }
0x11: {  	s29 =	sadd.s32 $0x200, s5;
	s17 =	simm.s32 $0x2;
	s7 =	sadd.s32 s2, s7  }
0x12: {  	s25 =	sadd.s32 s9, s4;
	s15 =	sadd.s32 s4, s28;
	s16 =	sadd.s32 s28, s21  }
0x13: {  	s18 =	sshrl.u32 s18, $0x3;
	s19 =	sadd.s32 s28, s30;
	[dreg:$0xc] =	wrdreg s29  }
0x14: {  	s23 =	sshrl.u32 s6, $0x3;
	s6 =	simm.s32 $0x0;
	[dreg:$0x5] =	wrdreg s7  }
0x15: {  	s7 =	sshll.u32 s22, $0x4;
	s8 =	sadd.s32 $0x20000, s25;
	s10 =	sadd.s32 $0x21000, s25  }
0x16: {  	s12 =	sadd.s32 $0x22000, s25;
	s22 =	sadd.s32 $0x2000, s4;
	s2 =	sadd.s32 s2, s18  }
0x17: {  	s20 =	sadd.s32 s4, s23;
	s21 =	sadd.s32 s23, s21;
	s25 =	sadd.s32 $0x80, s5  }
0x18: {  	s7 =	sor.u32 s7, s24;
	[dreg:$0x7] =	wrdreg s2;
	s18 =	sadd.s32 s28, s22  }
0x19: {  	s22 =	sadd.s32 s23, s22;
	s23 =	sadd.s32 s23, s30;
	s24 =	smax.u32 s1, $0x1  }
0x1a: {  	[dreg:$0x9] =	wrdreg s25;
	s28 =	sadd.s32 $0x180, s5;
	s30 =	sadd.s32 $0x280, s5  }
0x1b: {  	s1 =	sadd.s32 $0x380, s5;
	s2 =	simm.s32 $0x4;
	[dreg:$0x8] =	wrdreg s24  }
0x1c: {  	s25 =	simm.s32 $0x1;
	s7 =	sand.u32 $0x1C070, s7;
	[dreg:$0xb] =	wrdreg s28  }
0x1d: {  	[dreg:$0xd] =	wrdreg s30;
	s24 =	simm.s32 $0x5;
	s7 =	sadd.s32 s0, s7  }
0x1e: {  	s0 =	sor.u32 $0x23000, s26;
	s26 =	sadd.s32 $0x100, s5;
	s9 =	sadd.s32 $0x1000, s7  }
0x1f: {  	s11 =	sadd.s32 $0x2000, s7;
	s13 =	sadd.s32 $0x3000, s7;
	s14 =	sadd.s32 s4, s0  }
0x20: {  	[dreg:$0xa] =	wrdreg s26;
	s4 =	simm.s32 $0x6;
	s0 =	simm.s32 $0x3  }
.LBB2_1:
0x21: {  	s26 =	rddreg [dreg:$0x5];
	s28 =	simm.s32 $0x80;
	s29 =	simm.s32 $0x400  }
0x22: {  	[tilespmem:s3], [sflag:$0x1] =	stream.strided.gather [hbm4b:s26+s28], $0x18700, s29, s28, $0x38;
	[tilespmem:$0x1EB00] =	vst v63  }
0x23: {  	s30 =	simm.s32 $0x1C700  }
0x24: {  	[tilespmem:s30], [sflag:$0x6] =	stream.linear.gather [hbm4b:s5+s3], $0x80, $0x38;
	[tilespmem:$0x1EB00] =	vst v63  }
0x25: {  	s28 =	simm.s32 $0x1C800;
	s30 =	rddreg [dreg:$0x9]  }
0x26: {  	[tilespmem:s28], [sflag:$0x6] =	stream.linear.gather [hbm4b:s30+s3], $0x80, $0x38;
	[tilespmem:$0x1EB00] =	vst v63  }
0x27: {  	s30 =	rddreg [dreg:$0xa];
	s28 =	simm.s32 $0x1C900  }
0x28: {  	[tilespmem:s28], [sflag:$0x6] =	stream.linear.gather [hbm4b:s30+s3], $0x80, $0x38;
	[tilespmem:$0x1EB00] =	vst v63  }
0x29: {  	s30 =	rddreg [dreg:$0xb];
	s28 =	simm.s32 $0x1CA00  }
0x2a: {  	[tilespmem:s28], [sflag:$0x6] =	stream.linear.gather [hbm4b:s30+s3], $0x80, $0x38;
	[tilespmem:$0x1EB00] =	vst v63  }
0x2b: {  	s30 =	rddreg [dreg:$0xc];
	s28 =	simm.s32 $0x1CB00  }
0x2c: {  	[tilespmem:s28], [sflag:$0x6] =	stream.linear.gather [hbm4b:s30+s3], $0x80, $0x38;
	[tilespmem:$0x1EB00] =	vst v63  }
0x2d: {  	s30 =	rddreg [dreg:$0xd];
	s28 =	simm.s32 $0x1CC00  }
0x2e: {  	[tilespmem:s28], [sflag:$0x6] =	stream.linear.gather [hbm4b:s30+s3], $0x80, $0x38;
	[tilespmem:$0x1EB00] =	vst v63  }
0x2f: {  	s30 =	simm.s32 $0x1CD00  }
0x30: {  	[tilespmem:s30], [sflag:$0x6] =	stream.linear.gather [hbm4b:s31+s3], $0x80, $0x38;
	[tilespmem:$0x1EB00] =	vst v63  }
0x31: {  	s30 =	simm.s32 $0x1CE00  }
0x32: {  	[tilespmem:s30], [sflag:$0x6] =	stream.linear.gather [hbm4b:s1+s3], $0x80, $0x38;
	[tilespmem:$0x1EB00] =	vst v63  }
0x33: {  	_ =	swait.ge [sflag:s4], $0x400  }
0x34: {  	[sflag:s4] =	ssyncset.done $0x0  }
0x35: {  	s29 =	simm.s32 $0x1C740;
	[sflag:s4] =	ssyncadd.s32 $0xFFFFFC00  }
0x36: {  	v1 =	vld [tilespmem:s29+$0x30]  }
0x37: {  	v3 =	vld [tilespmem:s29+$0xFFFFFFD0]  }
0x38: {  	v7 =	vld [tilespmem:s29+$0xFFFFFFE0]  }
0x39: {  	v4 =	vld [tilespmem:s29+$0xFFFFFFF0]  }
0x3a: {  	v2 =	vld [tilespmem:s29+$0x0]  }
0x3b: {  	v0 =	vld [tilespmem:s29+$0x10];
	v5 =	vtrunc.f32 v1  }
0x3c: {  	v6 =	vtrunc.f32 v3;
	v1 =	vld [tilespmem:s29+$0x20];
	v5 =	vcvt.f32.s32 v5  }
0x3d: {  	s26 =	simm.s32 $0x18740;
	s28 =	simm.s32 $0x0;
	v3 =	vld [tilespmem:s29+$0xFFFFFFC0];
	v7 =	vtrunc.f32 v7;
	s29 =	simm.s32 $0x1C840;
	v6 =	vcvt.f32.s32 v6  }
.LBB2_2:
0x3e: {  	v8 =	vld [tilespmem:s29+$0x30];
	s28 =	sadd.s32 $0x80, s28;
	v7 =	vcvt.f32.s32 v7;
	v4 =	vtrunc.f32 v4;
	[tilespmem:s26+$0x30] =	vst v5  }
0x3f: {  	v5 =	vld [tilespmem:s29+$0xFFFFFFD0];
	p0 =	slt.u32 s28, $0x380;
	[tilespmem:s26+$0xFFFFFFD0] =	vst v6;
	v6 =	vcvt.f32.s32 v4;
	v2 =	vtrunc.f32 v2  }
0x40: {  	v9 =	vld [tilespmem:s29+$0xFFFFFFE0];
	[tilespmem:s26+$0xFFFFFFE0] =	vst v7;
	v7 =	vcvt.f32.s32 v2;
	v0 =	vtrunc.f32 v0  }
.Ltmp0:
0x41: {  	v4 =	vld [tilespmem:s29+$0xFFFFFFF0];
	[tilespmem:s26+$0xFFFFFFF0] =	vst v6;
	v6 =	vcvt.f32.s32 v0;
	v0 =	vtrunc.f32 v1;
	(pc) =	sbr.rel @p0 .LBB2_2-.Ltmp0, $4  }
0x42: {  	v2 =	vld [tilespmem:s29+$0x0];
	v1 =	vtrunc.f32 v3;
	[tilespmem:s26+$0x0] =	vst v7;
	v3 =	vcvt.f32.s32 v0  }
0x43: {  	v0 =	vld [tilespmem:s29+$0x10];
	v7 =	vtrunc.f32 v8;
	v8 =	vcvt.f32.s32 v1;
	[tilespmem:s26+$0x10] =	vst v6  }
0x44: {  	v6 =	vtrunc.f32 v5;
	v1 =	vld [tilespmem:s29+$0x20];
	v5 =	vcvt.f32.s32 v7;
	[tilespmem:s26+$0x20] =	vst v3  }
0x45: {  	v3 =	vld [tilespmem:s29+$0xFFFFFFC0];
	v6 =	vcvt.f32.s32 v6;
	v7 =	vtrunc.f32 v9;
	s29 =	sadd.s32 $0x100, s29;
	[tilespmem:s26+$0xFFFFFFC0] =	vst v8;
	s26 =	sadd.s32 $0x80, s26  }
0x46: {  	v7 =	vcvt.f32.s32 v7;
	v4 =	vtrunc.f32 v4;
	[tilespmem:s26+$0x30] =	vst v5  }
0x47: {  	[tilespmem:s26+$0xFFFFFFD0] =	vst v6;
	v4 =	vcvt.f32.s32 v4;
	v2 =	vtrunc.f32 v2  }
0x48: {  	[tilespmem:s26+$0xFFFFFFE0] =	vst v7;
	v2 =	vcvt.f32.s32 v2;
	v0 =	vtrunc.f32 v0  }
0x49: {  	[tilespmem:s26+$0xFFFFFFF0] =	vst v4;
	v0 =	vcvt.f32.s32 v0;
	v1 =	vtrunc.f32 v1  }
0x4a: {  	v3 =	vtrunc.f32 v3;
	[tilespmem:s26+$0x0] =	vst v2;
	v1 =	vcvt.f32.s32 v1  }
0x4b: {  	v63 =	vcvt.f32.s32 v3;
	[tilespmem:s26+$0x10] =	vst v0  }
0x4c: {  	[tilespmem:s26+$0x20] =	vst v1  }
0x4d: {  	[tilespmem:s26+$0xFFFFFFC0] =	vst v63  }
0x4e: {  	s28 =	simm.s32 $0x18700;
	s26 =	rddreg [dreg:$0x6]  }
0x4f: {  	[spmem:s26] =	stream.linear.scatter [tilespmem:s28], [sflag:$0x6], $0x400, $0x38;
	[tilespmem:$0x1EB00] =	vst v63  }
0x50: {  	_ =	swait.ge [sflag:s4], $0x400  }
0x51: {  	[sflag:s4] =	ssyncset.done $0x0  }
0x52: {  	[sflag:s4] =	ssyncadd.s32 $0xFFFFFC00  }
0x53: {  	[bflag:$0x0] =	sbarrier.arrive $0xFFFF  }
0x54: {  	s26 =	rddreg [dreg:$0x3]  }
0x55: {  	[tilespmem:s28], [sflag:$0x6] =	stream.linear.gather [spmem:s26], $0x4000, $0x38;
	[tilespmem:$0x1EB00] =	vst v63  }
0x56: {  	_ =	swait.ge [sflag:s4], $0x4000  }
0x57: {  	s30 =	sadd.s32 $0x0, s7;
	s29 =	simm.s32 $0x1C800;
	[sflag:s4] =	ssyncset.done $0x0  }
0x58: {  	s26 =	simm.s32 $0x1C700;
	s28 =	simm.s32 $0x80;
	[sflag:s4] =	ssyncadd.s32 $0xFFFFC000  }
.LBB2_4:
0x59: {  	[tilespmem:s26], [sflag:$0x2] =	stream.linear.gather [hbm4b:s30+s3], $0x80, $0x38;
	[tilespmem:$0x1EB00] =	vst v63  }
0x5a: {  	s30 =	smov.u32 s28;
	s26 =	smov.u32 s29;
	p0 =	sne.s32 s28, $0xF80  }
.Ltmp1:
0x5b: {  	s28 =	sadd.s32 $0x80, s28;
	(pc) =	sbr.rel @p0 .LBB2_4-.Ltmp1, $2  }
0x5c: {  	_ =	sdelay $0x2  }
0x5d: {  	s29 =	sadd.s32 $0x100, s29;
	s30 =	sadd.s32 s30, s7  }
0x5e: {  	[tilespmem:s26], [sflag:$0x2] =	stream.linear.gather [hbm4b:s30+s3], $0x80, $0x38;
	[tilespmem:$0x1EB00] =	vst v63  }
0x5f: {  	_ =	swait.ge [sflag:s17], $0x1000  }
0x60: {  	s26 =	simm.s32 $0x1C700;
	s28 =	simm.s32 $0x80;
	[sflag:s17] =	ssyncset.done $0x0  }
0x61: {  	s30 =	sadd.s32 $0x0, s8;
	s29 =	simm.s32 $0x1C800;
	[sflag:s17] =	ssyncadd.s32 $0xFFFFF000  }
.LBB2_6:
0x62: {  	[hbm4b:s30+s3] =	stream.linear.scatter [tilespmem:s26], [sflag:$0x4], $0x80, $0x38;
	[tilespmem:$0x1EB00] =	vst v63  }
0x63: {  	s30 =	smov.u32 s28;
	s26 =	smov.u32 s29;
	p0 =	sne.s32 s28, $0xF80  }
.Ltmp2:
0x64: {  	s28 =	sadd.s32 $0x80, s28;
	(pc) =	sbr.rel @p0 .LBB2_6-.Ltmp2, $2  }
0x65: {  	_ =	sdelay $0x2  }
0x66: {  	s29 =	sadd.s32 $0x100, s29;
	s30 =	sadd.s32 s30, s8  }
0x67: {  	[hbm4b:s30+s3] =	stream.linear.scatter [tilespmem:s26], [sflag:$0x4], $0x80, $0x38;
	[tilespmem:$0x1EB00] =	vst v63  }
0x68: {  	s26 =	simm.s32 $0x1C780  }
0x69: {  	s28 =	simm.s32 $0x80;
	s30 =	sadd.s32 $0x0, s9;
	s29 =	simm.s32 $0x1C880  }
.LBB2_8:
0x6a: {  	[tilespmem:s26], [sflag:$0x3] =	stream.linear.gather [hbm4b:s30+s3], $0x80, $0x38;
	[tilespmem:$0x1EB00] =	vst v63  }
0x6b: {  	s30 =	smov.u32 s28;
	s26 =	smov.u32 s29;
	p0 =	sne.s32 s28, $0xF80  }
.Ltmp3:
0x6c: {  	s28 =	sadd.s32 $0x80, s28;
	(pc) =	sbr.rel @p0 .LBB2_8-.Ltmp3, $2  }
0x6d: {  	_ =	sdelay $0x2  }
0x6e: {  	s29 =	sadd.s32 $0x100, s29;
	s30 =	sadd.s32 s30, s9  }
0x6f: {  	[tilespmem:s26], [sflag:$0x3] =	stream.linear.gather [hbm4b:s30+s3], $0x80, $0x38;
	[tilespmem:$0x1EB00] =	vst v63  }
0x70: {  	_ =	swait.ge [sflag:s0], $0x1000  }
0x71: {  	s26 =	simm.s32 $0x1C780;
	s28 =	simm.s32 $0x80;
	[sflag:s0] =	ssyncset.done $0x0  }
0x72: {  	s30 =	sadd.s32 $0x0, s10;
	s29 =	simm.s32 $0x1C880;
	[sflag:s0] =	ssyncadd.s32 $0xFFFFF000  }
.LBB2_10:
0x73: {  	[hbm4b:s30+s3] =	stream.linear.scatter [tilespmem:s26], [sflag:$0x5], $0x80, $0x38;
	[tilespmem:$0x1EB00] =	vst v63  }
0x74: {  	s30 =	smov.u32 s28;
	s26 =	smov.u32 s29;
	p0 =	sne.s32 s28, $0xF80  }
.Ltmp4:
0x75: {  	s28 =	sadd.s32 $0x80, s28;
	(pc) =	sbr.rel @p0 .LBB2_10-.Ltmp4, $2  }
0x76: {  	_ =	sdelay $0x2  }
0x77: {  	s29 =	sadd.s32 $0x100, s29;
	s30 =	sadd.s32 s30, s10  }
0x78: {  	[hbm4b:s30+s3] =	stream.linear.scatter [tilespmem:s26], [sflag:$0x5], $0x80, $0x38;
	[tilespmem:$0x1EB00] =	vst v63  }
0x79: {  	_ =	swait.ge [sflag:s2], $0x1000  }
0x7a: {  	s26 =	simm.s32 $0x1C700;
	s28 =	simm.s32 $0x80;
	[sflag:s2] =	ssyncset.done $0x0  }
0x7b: {  	s30 =	sadd.s32 $0x0, s11;
	s29 =	simm.s32 $0x1C800;
	[sflag:s2] =	ssyncadd.s32 $0xFFFFF000  }
.LBB2_12:
0x7c: {  	[tilespmem:s26], [sflag:$0x2] =	stream.linear.gather [hbm4b:s30+s3], $0x80, $0x38;
	[tilespmem:$0x1EB00] =	vst v63  }
0x7d: {  	s30 =	smov.u32 s28;
	s26 =	smov.u32 s29;
	p0 =	sne.s32 s28, $0xF80  }
.Ltmp5:
0x7e: {  	s28 =	sadd.s32 $0x80, s28;
	(pc) =	sbr.rel @p0 .LBB2_12-.Ltmp5, $2  }
0x7f: {  	_ =	sdelay $0x2  }
0x80: {  	s29 =	sadd.s32 $0x100, s29;
	s30 =	sadd.s32 s30, s11  }
0x81: {  	[tilespmem:s26], [sflag:$0x2] =	stream.linear.gather [hbm4b:s30+s3], $0x80, $0x38;
	[tilespmem:$0x1EB00] =	vst v63  }
0x82: {  	_ =	swait.ge [sflag:s17], $0x1000  }
0x83: {  	s26 =	simm.s32 $0x1C700;
	s28 =	simm.s32 $0x80;
	[sflag:s17] =	ssyncset.done $0x0  }
0x84: {  	s30 =	sadd.s32 $0x0, s12;
	s29 =	simm.s32 $0x1C800;
	[sflag:s17] =	ssyncadd.s32 $0xFFFFF000  }
.LBB2_14:
0x85: {  	[hbm4b:s30+s3] =	stream.linear.scatter [tilespmem:s26], [sflag:$0x4], $0x80, $0x38;
	[tilespmem:$0x1EB00] =	vst v63  }
0x86: {  	s30 =	smov.u32 s28;
	s26 =	smov.u32 s29;
	p0 =	sne.s32 s28, $0xF80  }
.Ltmp6:
0x87: {  	s28 =	sadd.s32 $0x80, s28;
	(pc) =	sbr.rel @p0 .LBB2_14-.Ltmp6, $2  }
0x88: {  	_ =	sdelay $0x2  }
0x89: {  	s29 =	sadd.s32 $0x100, s29;
	s30 =	sadd.s32 s30, s12  }
0x8a: {  	[hbm4b:s30+s3] =	stream.linear.scatter [tilespmem:s26], [sflag:$0x4], $0x80, $0x38;
	[tilespmem:$0x1EB00] =	vst v63  }
0x8b: {  	_ =	swait.ge [sflag:s24], $0x1000  }
0x8c: {  	s26 =	simm.s32 $0x1C780;
	s28 =	simm.s32 $0x80;
	[sflag:s24] =	ssyncset.done $0x0  }
0x8d: {  	s30 =	sadd.s32 $0x0, s13;
	s29 =	simm.s32 $0x1C880;
	[sflag:s24] =	ssyncadd.s32 $0xFFFFF000  }
.LBB2_16:
0x8e: {  	[tilespmem:s26], [sflag:$0x3] =	stream.linear.gather [hbm4b:s30+s3], $0x80, $0x38;
	[tilespmem:$0x1EB00] =	vst v63  }
0x8f: {  	s30 =	smov.u32 s28;
	s26 =	smov.u32 s29;
	p0 =	sne.s32 s28, $0xF80  }
.Ltmp7:
0x90: {  	s28 =	sadd.s32 $0x80, s28;
	(pc) =	sbr.rel @p0 .LBB2_16-.Ltmp7, $2  }
0x91: {  	_ =	sdelay $0x2  }
0x92: {  	s29 =	sadd.s32 $0x100, s29;
	s30 =	sadd.s32 s30, s13  }
0x93: {  	[tilespmem:s26], [sflag:$0x3] =	stream.linear.gather [hbm4b:s30+s3], $0x80, $0x38;
	[tilespmem:$0x1EB00] =	vst v63  }
0x94: {  	_ =	swait.ge [sflag:s0], $0x1000  }
0x95: {  	s26 =	simm.s32 $0x1C780;
	s28 =	simm.s32 $0x80;
	[sflag:s0] =	ssyncset.done $0x0  }
0x96: {  	s30 =	sadd.s32 $0x0, s14;
	s29 =	simm.s32 $0x1C880;
	[sflag:s0] =	ssyncadd.s32 $0xFFFFF000  }
.LBB2_18:
0x97: {  	[hbm4b:s30+s3] =	stream.linear.scatter [tilespmem:s26], [sflag:$0x5], $0x80, $0x38;
	[tilespmem:$0x1EB00] =	vst v63  }
0x98: {  	s30 =	smov.u32 s28;
	s26 =	smov.u32 s29;
	p0 =	sne.s32 s28, $0xF80  }
.Ltmp8:
0x99: {  	s28 =	sadd.s32 $0x80, s28;
	(pc) =	sbr.rel @p0 .LBB2_18-.Ltmp8, $2  }
0x9a: {  	_ =	sdelay $0x2  }
0x9b: {  	s29 =	sadd.s32 $0x100, s29;
	s30 =	sadd.s32 s30, s14  }
0x9c: {  	[hbm4b:s30+s3] =	stream.linear.scatter [tilespmem:s26], [sflag:$0x5], $0x80, $0x38;
	[tilespmem:$0x1EB00] =	vst v63  }
0x9d: {  	_ =	swait.ge [sflag:s2], $0x1000  }
0x9e: {  	[sflag:s2] =	ssyncset.done $0x0  }
0x9f: {  	[sflag:s2] =	ssyncadd.s32 $0xFFFFF000  }
0xa0: {  	_ =	swait.ge [sflag:s24], $0x1000  }
0xa1: {  	[sflag:s24] =	ssyncset.done $0x0  }
0xa2: {  	[sflag:s24] =	ssyncadd.s32 $0xFFFFF000  }
0xa3: {  	_ =	swait.ge [sflag:s25], $0x18700  }
0xa4: {  	[sflag:s25] =	ssyncset.done $0x0  }
0xa5: {  	s30 =	simm.s32 $0x18740;
	[sflag:s25] =	ssyncadd.s32 $0xFFFE7900  }
0xa6: {  	v0 =	vld [tilespmem:s30+$0x30]  }
0xa7: {  	v1 =	vld [tilespmem:s30+$0xFFFFFFD0]  }
0xa8: {  	v2 =	vld [tilespmem:s30+$0xFFFFFFE0]  }
0xa9: {  	v3 =	vld [tilespmem:s30+$0xFFFFFFF0]  }
0xaa: {  	v4 =	vld [tilespmem:s30+$0x0]  }
0xab: {  	v6 =	vld [tilespmem:s30+$0x10]  }
0xac: {  	v7 =	vld [tilespmem:s30+$0x20]  }
0xad: {  	v8 =	vld [tilespmem:s30+$0xFFFFFFC0]  }
0xae: {  	v9 =	vld.idx.msk [tilespmem:v0+s3+$0x0], $0xffff  }
0xaf: {  	v10 =	vld.idx.msk [tilespmem:v1+s3+$0x0], $0xffff  }
0xb0: {  	v5 =	vld.idx.msk [tilespmem:v2+s3+$0x0], $0xffff  }
0xb1: {  	v3 =	vld.idx.msk [tilespmem:v3+s3+$0x0], $0xffff  }
0xb2: {  	v0 =	vld.idx.msk [tilespmem:v4+s3+$0x0], $0xffff  }
0xb3: {  	s26 =	simm.s32 $0x1C740;
	v1 =	vld.idx.msk [tilespmem:v6+s3+$0x0], $0xffff  }
0xb4: {  	v2 =	vld.idx.msk [tilespmem:v7+s3+$0x0], $0xffff;
	[tilespmem:s26+$0x30] =	vst v9  }
0xb5: {  	s28 =	simm.s32 $0x0;
	s29 =	simm.s32 $0x187C0;
	v4 =	vld.idx.msk [tilespmem:v8+s3+$0x0], $0xffff;
	[tilespmem:s26+$0xFFFFFFD0] =	vst v10  }
.LBB2_20:
0xb6: {  	v6 =	vld [tilespmem:s29+$0x30];
	s28 =	sadd.s32 $0x80, s28;
	[tilespmem:s26+$0xFFFFFFE0] =	vst v5  }
0xb7: {  	v5 =	vld [tilespmem:s29+$0xFFFFFFD0];
	p0 =	slt.u32 s28, $0xF80;
	[tilespmem:s26+$0xFFFFFFF0] =	vst v3  }
0xb8: {  	v3 =	vld [tilespmem:s29+$0xFFFFFFE0];
	[tilespmem:s26+$0x0] =	vst v0  }
0xb9: {  	v0 =	vld [tilespmem:s29+$0xFFFFFFF0];
	[tilespmem:s26+$0x10] =	vst v1  }
0xba: {  	v1 =	vld [tilespmem:s29+$0x0];
	[tilespmem:s26+$0x20] =	vst v2  }
0xbb: {  	v2 =	vld [tilespmem:s29+$0x10];
	[tilespmem:s26+$0xFFFFFFC0] =	vst v4  }
0xbc: {  	v4 =	vld [tilespmem:s29+$0x20]  }
0xbd: {  	v7 =	vld [tilespmem:s29+$0xFFFFFFC0]  }
0xbe: {  	v6 =	vld.idx.msk [tilespmem:v6+s3+$0x0], $0xffff  }
0xbf: {  	v8 =	vld.idx.msk [tilespmem:v5+s3+$0x0], $0xffff  }
0xc0: {  	v5 =	vld.idx.msk [tilespmem:v3+s3+$0x0], $0xffff  }
.Ltmp9:
0xc1: {  	v3 =	vld.idx.msk [tilespmem:v0+s3+$0x0], $0xffff;
	(pc) =	sbr.rel @p0 .LBB2_20-.Ltmp9, $4  }
0xc2: {  	v0 =	vld.idx.msk [tilespmem:v1+s3+$0x0], $0xffff  }
0xc3: {  	s26 =	sadd.s32 $0x100, s26;
	v1 =	vld.idx.msk [tilespmem:v2+s3+$0x0], $0xffff  }
0xc4: {  	v2 =	vld.idx.msk [tilespmem:v4+s3+$0x0], $0xffff;
	[tilespmem:s26+$0x30] =	vst v6  }
0xc5: {  	s29 =	sadd.s32 $0x80, s29;
	v4 =	vld.idx.msk [tilespmem:v7+s3+$0x0], $0xffff;
	[tilespmem:s26+$0xFFFFFFD0] =	vst v8  }
0xc6: {  	[tilespmem:s26+$0xFFFFFFE0] =	vst v5  }
0xc7: {  	[tilespmem:s26+$0xFFFFFFF0] =	vst v3  }
0xc8: {  	[tilespmem:s26+$0x0] =	vst v0  }
0xc9: {  	[tilespmem:s26+$0x10] =	vst v1  }
0xca: {  	[tilespmem:s26+$0x20] =	vst v2  }
0xcb: {  	s28 =	simm.s32 $0x1C700;
	[tilespmem:s26+$0xFFFFFFC0] =	vst v4;
	s26 =	simm.s32 $0x0  }
.LBB2_22:
0xcc: {  	p0 =	sne.s32 s26, $0xF80  }
.Ltmp10:
0xcd: {  	_ = 	snop;
	(pc) =	sbr.rel @p0 .LBB2_22-.Ltmp10, $4  }
0xce: {  	_ = 	snop  }
0xcf: {  	s29 =	sadd.s32 s26, s15  }
0xd0: {  	[hbm4b:s29+s3] =	stream.linear.scatter [tilespmem:s28], [sflag:$0x4], $0x80, $0x38;
	[tilespmem:$0x1EB00] =	vst v63  }
0xd1: {  	s26 =	sadd.s32 $0x80, s26;
	s28 =	sadd.s32 $0x100, s28  }
0xd2: {  	s26 =	simm.s32 $0x19770  }
0xd3: {  	v0 =	vld [tilespmem:s26+$0x0]  }
0xd4: {  	v1 =	vld [tilespmem:s26+$0xFFFFFFA0]  }
0xd5: {  	v2 =	vld [tilespmem:s26+$0xFFFFFFB0]  }
0xd6: {  	v3 =	vld [tilespmem:s26+$0xFFFFFFC0]  }
0xd7: {  	v4 =	vld [tilespmem:s26+$0xFFFFFFD0]  }
0xd8: {  	v6 =	vld [tilespmem:s26+$0xFFFFFFE0]  }
0xd9: {  	v7 =	vld [tilespmem:s26+$0xFFFFFFF0]  }
0xda: {  	v8 =	vld [tilespmem:s26+$0xFFFFFF90]  }
0xdb: {  	v9 =	vld.idx.msk [tilespmem:v0+s3+$0x0], $0xffff  }
0xdc: {  	v10 =	vld.idx.msk [tilespmem:v1+s3+$0x0], $0xffff  }
0xdd: {  	v5 =	vld.idx.msk [tilespmem:v2+s3+$0x0], $0xffff  }
0xde: {  	v3 =	vld.idx.msk [tilespmem:v3+s3+$0x0], $0xffff  }
0xdf: {  	v0 =	vld.idx.msk [tilespmem:v4+s3+$0x0], $0xffff  }
0xe0: {  	s26 =	simm.s32 $0x1C7F0;
	v1 =	vld.idx.msk [tilespmem:v6+s3+$0x0], $0xffff  }
0xe1: {  	v2 =	vld.idx.msk [tilespmem:v7+s3+$0x0], $0xffff;
	[tilespmem:s26+$0x0] =	vst v9  }
0xe2: {  	s28 =	simm.s32 $0x0;
	s29 =	simm.s32 $0x197F0;
	v4 =	vld.idx.msk [tilespmem:v8+s3+$0x0], $0xffff;
	[tilespmem:s26+$0xFFFFFFA0] =	vst v10  }
.LBB2_24:
0xe3: {  	v6 =	vld [tilespmem:s29+$0x0];
	s28 =	sadd.s32 $0x80, s28;
	[tilespmem:s26+$0xFFFFFFB0] =	vst v5  }
0xe4: {  	v5 =	vld [tilespmem:s29+$0xFFFFFFA0];
	p0 =	slt.u32 s28, $0xF80;
	[tilespmem:s26+$0xFFFFFFC0] =	vst v3  }
0xe5: {  	v3 =	vld [tilespmem:s29+$0xFFFFFFB0];
	[tilespmem:s26+$0xFFFFFFD0] =	vst v0  }
0xe6: {  	v0 =	vld [tilespmem:s29+$0xFFFFFFC0];
	[tilespmem:s26+$0xFFFFFFE0] =	vst v1  }
0xe7: {  	v1 =	vld [tilespmem:s29+$0xFFFFFFD0];
	[tilespmem:s26+$0xFFFFFFF0] =	vst v2  }
0xe8: {  	v2 =	vld [tilespmem:s29+$0xFFFFFFE0];
	[tilespmem:s26+$0xFFFFFF90] =	vst v4  }
0xe9: {  	v4 =	vld [tilespmem:s29+$0xFFFFFFF0]  }
0xea: {  	v7 =	vld [tilespmem:s29+$0xFFFFFF90]  }
0xeb: {  	v6 =	vld.idx.msk [tilespmem:v6+s3+$0x0], $0xffff  }
0xec: {  	v8 =	vld.idx.msk [tilespmem:v5+s3+$0x0], $0xffff  }
0xed: {  	v5 =	vld.idx.msk [tilespmem:v3+s3+$0x0], $0xffff  }
.Ltmp11:
0xee: {  	v3 =	vld.idx.msk [tilespmem:v0+s3+$0x0], $0xffff;
	(pc) =	sbr.rel @p0 .LBB2_24-.Ltmp11, $4  }
0xef: {  	v0 =	vld.idx.msk [tilespmem:v1+s3+$0x0], $0xffff  }
0xf0: {  	s26 =	sadd.s32 $0x100, s26;
	v1 =	vld.idx.msk [tilespmem:v2+s3+$0x0], $0xffff  }
0xf1: {  	v2 =	vld.idx.msk [tilespmem:v4+s3+$0x0], $0xffff;
	[tilespmem:s26+$0x0] =	vst v6  }
0xf2: {  	s29 =	sadd.s32 $0x80, s29;
	v4 =	vld.idx.msk [tilespmem:v7+s3+$0x0], $0xffff;
	[tilespmem:s26+$0xFFFFFFA0] =	vst v8  }
0xf3: {  	[tilespmem:s26+$0xFFFFFFB0] =	vst v5  }
0xf4: {  	[tilespmem:s26+$0xFFFFFFC0] =	vst v3  }
0xf5: {  	[tilespmem:s26+$0xFFFFFFD0] =	vst v0  }
0xf6: {  	[tilespmem:s26+$0xFFFFFFE0] =	vst v1  }
0xf7: {  	s28 =	simm.s32 $0x1C780;
	[tilespmem:s26+$0xFFFFFFF0] =	vst v2  }
0xf8: {  	s30 =	sadd.s32 $0x0, s16;
	s29 =	simm.s32 $0x1C880;
	[tilespmem:s26+$0xFFFFFF90] =	vst v4;
	s26 =	simm.s32 $0x80  }
.LBB2_26:
0xf9: {  	[hbm4b:s30+s3] =	stream.linear.scatter [tilespmem:s28], [sflag:$0x5], $0x80, $0x38;
	[tilespmem:$0x1EB00] =	vst v63  }
0xfa: {  	s30 =	smov.u32 s26;
	s28 =	smov.u32 s29;
	p0 =	sne.s32 s26, $0xF80  }
.Ltmp12:
0xfb: {  	s26 =	sadd.s32 $0x80, s26;
	(pc) =	sbr.rel @p0 .LBB2_26-.Ltmp12, $2  }
0xfc: {  	_ =	sdelay $0x2  }
0xfd: {  	s29 =	sadd.s32 $0x100, s29;
	s30 =	sadd.s32 s30, s16  }
0xfe: {  	[hbm4b:s30+s3] =	stream.linear.scatter [tilespmem:s28], [sflag:$0x5], $0x80, $0x38;
	[tilespmem:$0x1EB00] =	vst v63  }
0xff: {  	_ =	swait.ge [sflag:s2], $0x1000  }
0x100: {  	[sflag:s2] =	ssyncset.done $0x0  }
0x101: {  	s26 =	simm.s32 $0x1A770;
	[sflag:s2] =	ssyncadd.s32 $0xFFFFF000  }
0x102: {  	v0 =	vld [tilespmem:s26+$0x0]  }
0x103: {  	v1 =	vld [tilespmem:s26+$0xFFFFFFA0]  }
0x104: {  	v2 =	vld [tilespmem:s26+$0xFFFFFFB0]  }
0x105: {  	v3 =	vld [tilespmem:s26+$0xFFFFFFC0]  }
0x106: {  	v4 =	vld [tilespmem:s26+$0xFFFFFFD0]  }
0x107: {  	v6 =	vld [tilespmem:s26+$0xFFFFFFE0]  }
0x108: {  	v7 =	vld [tilespmem:s26+$0xFFFFFFF0]  }
0x109: {  	v8 =	vld [tilespmem:s26+$0xFFFFFF90]  }
0x10a: {  	v9 =	vld.idx.msk [tilespmem:v0+s3+$0x0], $0xffff  }
0x10b: {  	v10 =	vld.idx.msk [tilespmem:v1+s3+$0x0], $0xffff  }
0x10c: {  	v5 =	vld.idx.msk [tilespmem:v2+s3+$0x0], $0xffff  }
0x10d: {  	v3 =	vld.idx.msk [tilespmem:v3+s3+$0x0], $0xffff  }
0x10e: {  	v0 =	vld.idx.msk [tilespmem:v4+s3+$0x0], $0xffff  }
0x10f: {  	s26 =	simm.s32 $0x1C740;
	v1 =	vld.idx.msk [tilespmem:v6+s3+$0x0], $0xffff  }
0x110: {  	v2 =	vld.idx.msk [tilespmem:v7+s3+$0x0], $0xffff;
	[tilespmem:s26+$0x30] =	vst v9  }
0x111: {  	s28 =	simm.s32 $0x0;
	s29 =	simm.s32 $0x1A7F0;
	v4 =	vld.idx.msk [tilespmem:v8+s3+$0x0], $0xffff;
	[tilespmem:s26+$0xFFFFFFD0] =	vst v10  }
.LBB2_28:
0x112: {  	v6 =	vld [tilespmem:s29+$0x0];
	s28 =	sadd.s32 $0x80, s28;
	[tilespmem:s26+$0xFFFFFFE0] =	vst v5  }
0x113: {  	v5 =	vld [tilespmem:s29+$0xFFFFFFA0];
	p0 =	slt.u32 s28, $0xF80;
	[tilespmem:s26+$0xFFFFFFF0] =	vst v3  }
0x114: {  	v3 =	vld [tilespmem:s29+$0xFFFFFFB0];
	[tilespmem:s26+$0x0] =	vst v0  }
0x115: {  	v0 =	vld [tilespmem:s29+$0xFFFFFFC0];
	[tilespmem:s26+$0x10] =	vst v1  }
0x116: {  	v1 =	vld [tilespmem:s29+$0xFFFFFFD0];
	[tilespmem:s26+$0x20] =	vst v2  }
0x117: {  	v2 =	vld [tilespmem:s29+$0xFFFFFFE0];
	[tilespmem:s26+$0xFFFFFFC0] =	vst v4  }
0x118: {  	v4 =	vld [tilespmem:s29+$0xFFFFFFF0]  }
0x119: {  	v7 =	vld [tilespmem:s29+$0xFFFFFF90]  }
0x11a: {  	v6 =	vld.idx.msk [tilespmem:v6+s3+$0x0], $0xffff  }
0x11b: {  	v8 =	vld.idx.msk [tilespmem:v5+s3+$0x0], $0xffff  }
0x11c: {  	v5 =	vld.idx.msk [tilespmem:v3+s3+$0x0], $0xffff  }
.Ltmp13:
0x11d: {  	v3 =	vld.idx.msk [tilespmem:v0+s3+$0x0], $0xffff;
	(pc) =	sbr.rel @p0 .LBB2_28-.Ltmp13, $4  }
0x11e: {  	v0 =	vld.idx.msk [tilespmem:v1+s3+$0x0], $0xffff  }
0x11f: {  	s26 =	sadd.s32 $0x100, s26;
	v1 =	vld.idx.msk [tilespmem:v2+s3+$0x0], $0xffff  }
0x120: {  	v2 =	vld.idx.msk [tilespmem:v4+s3+$0x0], $0xffff;
	[tilespmem:s26+$0x30] =	vst v6  }
0x121: {  	s29 =	sadd.s32 $0x80, s29;
	v4 =	vld.idx.msk [tilespmem:v7+s3+$0x0], $0xffff;
	[tilespmem:s26+$0xFFFFFFD0] =	vst v8  }
0x122: {  	[tilespmem:s26+$0xFFFFFFE0] =	vst v5  }
0x123: {  	[tilespmem:s26+$0xFFFFFFF0] =	vst v3  }
0x124: {  	[tilespmem:s26+$0x0] =	vst v0  }
0x125: {  	[tilespmem:s26+$0x10] =	vst v1  }
0x126: {  	s28 =	simm.s32 $0x1C700;
	[tilespmem:s26+$0x20] =	vst v2  }
0x127: {  	s30 =	sadd.s32 $0x0, s18;
	s29 =	simm.s32 $0x1C800;
	[tilespmem:s26+$0xFFFFFFC0] =	vst v4;
	s26 =	simm.s32 $0x80  }
.LBB2_30:
0x128: {  	[hbm4b:s30+s3] =	stream.linear.scatter [tilespmem:s28], [sflag:$0x4], $0x80, $0x38;
	[tilespmem:$0x1EB00] =	vst v63  }
0x129: {  	s30 =	smov.u32 s26;
	s28 =	smov.u32 s29;
	p0 =	sne.s32 s26, $0xF80  }
.Ltmp14:
0x12a: {  	s26 =	sadd.s32 $0x80, s26;
	(pc) =	sbr.rel @p0 .LBB2_30-.Ltmp14, $2  }
0x12b: {  	_ =	sdelay $0x2  }
0x12c: {  	s29 =	sadd.s32 $0x100, s29;
	s30 =	sadd.s32 s30, s18  }
0x12d: {  	[hbm4b:s30+s3] =	stream.linear.scatter [tilespmem:s28], [sflag:$0x4], $0x80, $0x38;
	[tilespmem:$0x1EB00] =	vst v63  }
0x12e: {  	_ =	swait.ge [sflag:s24], $0x1000  }
0x12f: {  	[sflag:s24] =	ssyncset.done $0x0  }
0x130: {  	s26 =	simm.s32 $0x1B770;
	[sflag:s24] =	ssyncadd.s32 $0xFFFFF000  }
0x131: {  	v0 =	vld [tilespmem:s26+$0x0]  }
0x132: {  	v1 =	vld [tilespmem:s26+$0xFFFFFFA0]  }
0x133: {  	v2 =	vld [tilespmem:s26+$0xFFFFFFB0]  }
0x134: {  	v3 =	vld [tilespmem:s26+$0xFFFFFFC0]  }
0x135: {  	v4 =	vld [tilespmem:s26+$0xFFFFFFD0]  }
0x136: {  	v6 =	vld [tilespmem:s26+$0xFFFFFFE0]  }
0x137: {  	v7 =	vld [tilespmem:s26+$0xFFFFFFF0]  }
0x138: {  	v8 =	vld [tilespmem:s26+$0xFFFFFF90]  }
0x139: {  	v9 =	vld.idx.msk [tilespmem:v0+s3+$0x0], $0xffff  }
0x13a: {  	v10 =	vld.idx.msk [tilespmem:v1+s3+$0x0], $0xffff  }
0x13b: {  	v5 =	vld.idx.msk [tilespmem:v2+s3+$0x0], $0xffff  }
0x13c: {  	v3 =	vld.idx.msk [tilespmem:v3+s3+$0x0], $0xffff  }
0x13d: {  	v0 =	vld.idx.msk [tilespmem:v4+s3+$0x0], $0xffff  }
0x13e: {  	s26 =	simm.s32 $0x1C7F0;
	v1 =	vld.idx.msk [tilespmem:v6+s3+$0x0], $0xffff  }
0x13f: {  	v2 =	vld.idx.msk [tilespmem:v7+s3+$0x0], $0xffff;
	[tilespmem:s26+$0x0] =	vst v9  }
0x140: {  	s28 =	simm.s32 $0x0;
	s29 =	simm.s32 $0x1B7F0;
	v4 =	vld.idx.msk [tilespmem:v8+s3+$0x0], $0xffff;
	[tilespmem:s26+$0xFFFFFFA0] =	vst v10  }
.LBB2_32:
0x141: {  	v6 =	vld [tilespmem:s29+$0x0];
	s28 =	sadd.s32 $0x80, s28;
	[tilespmem:s26+$0xFFFFFFB0] =	vst v5  }
0x142: {  	v5 =	vld [tilespmem:s29+$0xFFFFFFA0];
	p0 =	slt.u32 s28, $0xF80;
	[tilespmem:s26+$0xFFFFFFC0] =	vst v3  }
0x143: {  	v3 =	vld [tilespmem:s29+$0xFFFFFFB0];
	[tilespmem:s26+$0xFFFFFFD0] =	vst v0  }
0x144: {  	v0 =	vld [tilespmem:s29+$0xFFFFFFC0];
	[tilespmem:s26+$0xFFFFFFE0] =	vst v1  }
0x145: {  	v1 =	vld [tilespmem:s29+$0xFFFFFFD0];
	[tilespmem:s26+$0xFFFFFFF0] =	vst v2  }
0x146: {  	v2 =	vld [tilespmem:s29+$0xFFFFFFE0];
	[tilespmem:s26+$0xFFFFFF90] =	vst v4  }
0x147: {  	v4 =	vld [tilespmem:s29+$0xFFFFFFF0]  }
0x148: {  	v7 =	vld [tilespmem:s29+$0xFFFFFF90]  }
0x149: {  	v6 =	vld.idx.msk [tilespmem:v6+s3+$0x0], $0xffff  }
0x14a: {  	v8 =	vld.idx.msk [tilespmem:v5+s3+$0x0], $0xffff  }
0x14b: {  	v5 =	vld.idx.msk [tilespmem:v3+s3+$0x0], $0xffff  }
.Ltmp15:
0x14c: {  	v3 =	vld.idx.msk [tilespmem:v0+s3+$0x0], $0xffff;
	(pc) =	sbr.rel @p0 .LBB2_32-.Ltmp15, $4  }
0x14d: {  	v0 =	vld.idx.msk [tilespmem:v1+s3+$0x0], $0xffff  }
0x14e: {  	s26 =	sadd.s32 $0x100, s26;
	v1 =	vld.idx.msk [tilespmem:v2+s3+$0x0], $0xffff  }
0x14f: {  	v2 =	vld.idx.msk [tilespmem:v4+s3+$0x0], $0xffff;
	[tilespmem:s26+$0x0] =	vst v6  }
0x150: {  	s29 =	sadd.s32 $0x80, s29;
	v4 =	vld.idx.msk [tilespmem:v7+s3+$0x0], $0xffff;
	[tilespmem:s26+$0xFFFFFFA0] =	vst v8  }
0x151: {  	[tilespmem:s26+$0xFFFFFFB0] =	vst v5  }
0x152: {  	[tilespmem:s26+$0xFFFFFFC0] =	vst v3  }
0x153: {  	[tilespmem:s26+$0xFFFFFFD0] =	vst v0  }
0x154: {  	[tilespmem:s26+$0xFFFFFFE0] =	vst v1  }
0x155: {  	[tilespmem:s26+$0xFFFFFFF0] =	vst v2  }
0x156: {  	s29 =	simm.s32 $0x80;
	[tilespmem:s26+$0xFFFFFF90] =	vst v4  }
0x157: {  	s30 =	simm.s32 $0x400;
	s26 =	simm.s32 $0x0;
	s28 =	rddreg [dreg:$0x7]  }
0x158: {  	[tilespmem:s26], [sflag:$0x1] =	stream.strided.gather [hbm4b:s28+s29], $0x18700, s30, s29, $0x38;
	[tilespmem:$0x1EB00] =	vst v63  }
0x159: {  	s26 =	simm.s32 $0x1C780  }
0x15a: {  	s28 =	simm.s32 $0x80;
	s30 =	sadd.s32 $0x0, s19;
	s29 =	simm.s32 $0x1C880  }
.LBB2_34:
0x15b: {  	[hbm4b:s30+s3] =	stream.linear.scatter [tilespmem:s26], [sflag:$0x5], $0x80, $0x38;
	[tilespmem:$0x1EB00] =	vst v63  }
0x15c: {  	s30 =	smov.u32 s28;
	s26 =	smov.u32 s29;
	p0 =	sne.s32 s28, $0xF80  }
.Ltmp16:
0x15d: {  	s28 =	sadd.s32 $0x80, s28;
	(pc) =	sbr.rel @p0 .LBB2_34-.Ltmp16, $2  }
0x15e: {  	_ =	sdelay $0x2  }
0x15f: {  	s29 =	sadd.s32 $0x100, s29;
	s30 =	sadd.s32 s30, s19  }
0x160: {  	[hbm4b:s30+s3] =	stream.linear.scatter [tilespmem:s26], [sflag:$0x5], $0x80, $0x38;
	[tilespmem:$0x1EB00] =	vst v63  }
0x161: {  	_ =	swait.ge [sflag:s25], $0x18700  }
0x162: {  	[sflag:s25] =	ssyncset.done $0x0  }
0x163: {  	[sflag:s25] =	ssyncadd.s32 $0xFFFE7900  }
0x164: {  	_ =	swait.ge [sflag:s2], $0x1000  }
0x165: {  	[sflag:s2] =	ssyncset.done $0x0  }
0x166: {  	s30 =	simm.s32 $0x18740;
	[sflag:s2] =	ssyncadd.s32 $0xFFFFF000  }
0x167: {  	v0 =	vld [tilespmem:s30+$0x30]  }
0x168: {  	v1 =	vld [tilespmem:s30+$0xFFFFFFD0]  }
0x169: {  	v2 =	vld [tilespmem:s30+$0xFFFFFFE0]  }
0x16a: {  	v3 =	vld [tilespmem:s30+$0xFFFFFFF0]  }
0x16b: {  	v4 =	vld [tilespmem:s30+$0x0]  }
0x16c: {  	v6 =	vld [tilespmem:s30+$0x10]  }
0x16d: {  	v7 =	vld [tilespmem:s30+$0x20]  }
0x16e: {  	v8 =	vld [tilespmem:s30+$0xFFFFFFC0]  }
0x16f: {  	v9 =	vld.idx.msk [tilespmem:v0+s3+$0x0], $0xffff  }
0x170: {  	v10 =	vld.idx.msk [tilespmem:v1+s3+$0x0], $0xffff  }
0x171: {  	v5 =	vld.idx.msk [tilespmem:v2+s3+$0x0], $0xffff  }
0x172: {  	v3 =	vld.idx.msk [tilespmem:v3+s3+$0x0], $0xffff  }
0x173: {  	v0 =	vld.idx.msk [tilespmem:v4+s3+$0x0], $0xffff  }
0x174: {  	s26 =	simm.s32 $0x1C740;
	v1 =	vld.idx.msk [tilespmem:v6+s3+$0x0], $0xffff  }
0x175: {  	v2 =	vld.idx.msk [tilespmem:v7+s3+$0x0], $0xffff;
	[tilespmem:s26+$0x30] =	vst v9  }
0x176: {  	s28 =	simm.s32 $0x0;
	s29 =	simm.s32 $0x187C0;
	v4 =	vld.idx.msk [tilespmem:v8+s3+$0x0], $0xffff;
	[tilespmem:s26+$0xFFFFFFD0] =	vst v10  }
.LBB2_36:
0x177: {  	v6 =	vld [tilespmem:s29+$0x30];
	s28 =	sadd.s32 $0x80, s28;
	[tilespmem:s26+$0xFFFFFFE0] =	vst v5  }
0x178: {  	v5 =	vld [tilespmem:s29+$0xFFFFFFD0];
	p0 =	slt.u32 s28, $0xF80;
	[tilespmem:s26+$0xFFFFFFF0] =	vst v3  }
0x179: {  	v3 =	vld [tilespmem:s29+$0xFFFFFFE0];
	[tilespmem:s26+$0x0] =	vst v0  }
0x17a: {  	v0 =	vld [tilespmem:s29+$0xFFFFFFF0];
	[tilespmem:s26+$0x10] =	vst v1  }
0x17b: {  	v1 =	vld [tilespmem:s29+$0x0];
	[tilespmem:s26+$0x20] =	vst v2  }
0x17c: {  	v2 =	vld [tilespmem:s29+$0x10];
	[tilespmem:s26+$0xFFFFFFC0] =	vst v4  }
0x17d: {  	v4 =	vld [tilespmem:s29+$0x20]  }
0x17e: {  	v7 =	vld [tilespmem:s29+$0xFFFFFFC0]  }
0x17f: {  	v6 =	vld.idx.msk [tilespmem:v6+s3+$0x0], $0xffff  }
0x180: {  	v8 =	vld.idx.msk [tilespmem:v5+s3+$0x0], $0xffff  }
0x181: {  	v5 =	vld.idx.msk [tilespmem:v3+s3+$0x0], $0xffff  }
.Ltmp17:
0x182: {  	v3 =	vld.idx.msk [tilespmem:v0+s3+$0x0], $0xffff;
	(pc) =	sbr.rel @p0 .LBB2_36-.Ltmp17, $4  }
0x183: {  	v0 =	vld.idx.msk [tilespmem:v1+s3+$0x0], $0xffff  }
0x184: {  	s26 =	sadd.s32 $0x100, s26;
	v1 =	vld.idx.msk [tilespmem:v2+s3+$0x0], $0xffff  }
0x185: {  	v2 =	vld.idx.msk [tilespmem:v4+s3+$0x0], $0xffff;
	[tilespmem:s26+$0x30] =	vst v6  }
0x186: {  	s29 =	sadd.s32 $0x80, s29;
	v4 =	vld.idx.msk [tilespmem:v7+s3+$0x0], $0xffff;
	[tilespmem:s26+$0xFFFFFFD0] =	vst v8  }
0x187: {  	[tilespmem:s26+$0xFFFFFFE0] =	vst v5  }
0x188: {  	[tilespmem:s26+$0xFFFFFFF0] =	vst v3  }
0x189: {  	[tilespmem:s26+$0x0] =	vst v0  }
0x18a: {  	[tilespmem:s26+$0x10] =	vst v1  }
0x18b: {  	s28 =	simm.s32 $0x1C700;
	[tilespmem:s26+$0x20] =	vst v2  }
0x18c: {  	s30 =	sadd.s32 $0x0, s20;
	s29 =	simm.s32 $0x1C800;
	[tilespmem:s26+$0xFFFFFFC0] =	vst v4;
	s26 =	simm.s32 $0x80  }
.LBB2_38:
0x18d: {  	[hbm4b:s30+s3] =	stream.linear.scatter [tilespmem:s28], [sflag:$0x4], $0x80, $0x38;
	[tilespmem:$0x1EB00] =	vst v63  }
0x18e: {  	s30 =	smov.u32 s26;
	s28 =	smov.u32 s29;
	p0 =	sne.s32 s26, $0xF80  }
.Ltmp18:
0x18f: {  	s26 =	sadd.s32 $0x80, s26;
	(pc) =	sbr.rel @p0 .LBB2_38-.Ltmp18, $2  }
0x190: {  	_ =	sdelay $0x2  }
0x191: {  	s29 =	sadd.s32 $0x100, s29;
	s30 =	sadd.s32 s30, s20  }
0x192: {  	[hbm4b:s30+s3] =	stream.linear.scatter [tilespmem:s28], [sflag:$0x4], $0x80, $0x38;
	[tilespmem:$0x1EB00] =	vst v63  }
0x193: {  	_ =	swait.ge [sflag:s24], $0x1000  }
0x194: {  	[sflag:s24] =	ssyncset.done $0x0  }
0x195: {  	s26 =	simm.s32 $0x19770;
	[sflag:s24] =	ssyncadd.s32 $0xFFFFF000  }
0x196: {  	v0 =	vld [tilespmem:s26+$0x0]  }
0x197: {  	v1 =	vld [tilespmem:s26+$0xFFFFFFA0]  }
0x198: {  	v2 =	vld [tilespmem:s26+$0xFFFFFFB0]  }
0x199: {  	v3 =	vld [tilespmem:s26+$0xFFFFFFC0]  }
0x19a: {  	v4 =	vld [tilespmem:s26+$0xFFFFFFD0]  }
0x19b: {  	v6 =	vld [tilespmem:s26+$0xFFFFFFE0]  }
0x19c: {  	v7 =	vld [tilespmem:s26+$0xFFFFFFF0]  }
0x19d: {  	v8 =	vld [tilespmem:s26+$0xFFFFFF90]  }
0x19e: {  	v9 =	vld.idx.msk [tilespmem:v0+s3+$0x0], $0xffff  }
0x19f: {  	v10 =	vld.idx.msk [tilespmem:v1+s3+$0x0], $0xffff  }
0x1a0: {  	v5 =	vld.idx.msk [tilespmem:v2+s3+$0x0], $0xffff  }
0x1a1: {  	v3 =	vld.idx.msk [tilespmem:v3+s3+$0x0], $0xffff  }
0x1a2: {  	v0 =	vld.idx.msk [tilespmem:v4+s3+$0x0], $0xffff  }
0x1a3: {  	s26 =	simm.s32 $0x1C7F0;
	v1 =	vld.idx.msk [tilespmem:v6+s3+$0x0], $0xffff  }
0x1a4: {  	v2 =	vld.idx.msk [tilespmem:v7+s3+$0x0], $0xffff;
	[tilespmem:s26+$0x0] =	vst v9  }
0x1a5: {  	s28 =	simm.s32 $0x0;
	s29 =	simm.s32 $0x197F0;
	v4 =	vld.idx.msk [tilespmem:v8+s3+$0x0], $0xffff;
	[tilespmem:s26+$0xFFFFFFA0] =	vst v10  }
.LBB2_40:
0x1a6: {  	v6 =	vld [tilespmem:s29+$0x0];
	s28 =	sadd.s32 $0x80, s28;
	[tilespmem:s26+$0xFFFFFFB0] =	vst v5  }
0x1a7: {  	v5 =	vld [tilespmem:s29+$0xFFFFFFA0];
	p0 =	slt.u32 s28, $0xF80;
	[tilespmem:s26+$0xFFFFFFC0] =	vst v3  }
0x1a8: {  	v3 =	vld [tilespmem:s29+$0xFFFFFFB0];
	[tilespmem:s26+$0xFFFFFFD0] =	vst v0  }
0x1a9: {  	v0 =	vld [tilespmem:s29+$0xFFFFFFC0];
	[tilespmem:s26+$0xFFFFFFE0] =	vst v1  }
0x1aa: {  	v1 =	vld [tilespmem:s29+$0xFFFFFFD0];
	[tilespmem:s26+$0xFFFFFFF0] =	vst v2  }
0x1ab: {  	v2 =	vld [tilespmem:s29+$0xFFFFFFE0];
	[tilespmem:s26+$0xFFFFFF90] =	vst v4  }
0x1ac: {  	v4 =	vld [tilespmem:s29+$0xFFFFFFF0]  }
0x1ad: {  	v7 =	vld [tilespmem:s29+$0xFFFFFF90]  }
0x1ae: {  	v6 =	vld.idx.msk [tilespmem:v6+s3+$0x0], $0xffff  }
0x1af: {  	v8 =	vld.idx.msk [tilespmem:v5+s3+$0x0], $0xffff  }
0x1b0: {  	v5 =	vld.idx.msk [tilespmem:v3+s3+$0x0], $0xffff  }
.Ltmp19:
0x1b1: {  	v3 =	vld.idx.msk [tilespmem:v0+s3+$0x0], $0xffff;
	(pc) =	sbr.rel @p0 .LBB2_40-.Ltmp19, $4  }
0x1b2: {  	v0 =	vld.idx.msk [tilespmem:v1+s3+$0x0], $0xffff  }
0x1b3: {  	s26 =	sadd.s32 $0x100, s26;
	v1 =	vld.idx.msk [tilespmem:v2+s3+$0x0], $0xffff  }
0x1b4: {  	v2 =	vld.idx.msk [tilespmem:v4+s3+$0x0], $0xffff;
	[tilespmem:s26+$0x0] =	vst v6  }
0x1b5: {  	s29 =	sadd.s32 $0x80, s29;
	v4 =	vld.idx.msk [tilespmem:v7+s3+$0x0], $0xffff;
	[tilespmem:s26+$0xFFFFFFA0] =	vst v8  }
0x1b6: {  	[tilespmem:s26+$0xFFFFFFB0] =	vst v5  }
0x1b7: {  	[tilespmem:s26+$0xFFFFFFC0] =	vst v3  }
0x1b8: {  	[tilespmem:s26+$0xFFFFFFD0] =	vst v0  }
0x1b9: {  	[tilespmem:s26+$0xFFFFFFE0] =	vst v1  }
0x1ba: {  	s28 =	simm.s32 $0x1C780;
	[tilespmem:s26+$0xFFFFFFF0] =	vst v2  }
0x1bb: {  	s30 =	sadd.s32 $0x0, s21;
	s29 =	simm.s32 $0x1C880;
	[tilespmem:s26+$0xFFFFFF90] =	vst v4;
	s26 =	simm.s32 $0x80  }
.LBB2_42:
0x1bc: {  	[hbm4b:s30+s3] =	stream.linear.scatter [tilespmem:s28], [sflag:$0x5], $0x80, $0x38;
	[tilespmem:$0x1EB00] =	vst v63  }
0x1bd: {  	s30 =	smov.u32 s26;
	s28 =	smov.u32 s29;
	p0 =	sne.s32 s26, $0xF80  }
.Ltmp20:
0x1be: {  	s26 =	sadd.s32 $0x80, s26;
	(pc) =	sbr.rel @p0 .LBB2_42-.Ltmp20, $2  }
0x1bf: {  	_ =	sdelay $0x2  }
0x1c0: {  	s29 =	sadd.s32 $0x100, s29;
	s30 =	sadd.s32 s30, s21  }
0x1c1: {  	[hbm4b:s30+s3] =	stream.linear.scatter [tilespmem:s28], [sflag:$0x5], $0x80, $0x38;
	[tilespmem:$0x1EB00] =	vst v63  }
0x1c2: {  	_ =	swait.ge [sflag:s2], $0x1000  }
0x1c3: {  	[sflag:s2] =	ssyncset.done $0x0  }
0x1c4: {  	s26 =	simm.s32 $0x1A770;
	[sflag:s2] =	ssyncadd.s32 $0xFFFFF000  }
0x1c5: {  	v0 =	vld [tilespmem:s26+$0x0]  }
0x1c6: {  	v1 =	vld [tilespmem:s26+$0xFFFFFFA0]  }
0x1c7: {  	v2 =	vld [tilespmem:s26+$0xFFFFFFB0]  }
0x1c8: {  	v3 =	vld [tilespmem:s26+$0xFFFFFFC0]  }
0x1c9: {  	v4 =	vld [tilespmem:s26+$0xFFFFFFD0]  }
0x1ca: {  	v6 =	vld [tilespmem:s26+$0xFFFFFFE0]  }
0x1cb: {  	v7 =	vld [tilespmem:s26+$0xFFFFFFF0]  }
0x1cc: {  	v8 =	vld [tilespmem:s26+$0xFFFFFF90]  }
0x1cd: {  	v9 =	vld.idx.msk [tilespmem:v0+s3+$0x0], $0xffff  }
0x1ce: {  	v10 =	vld.idx.msk [tilespmem:v1+s3+$0x0], $0xffff  }
0x1cf: {  	v5 =	vld.idx.msk [tilespmem:v2+s3+$0x0], $0xffff  }
0x1d0: {  	v3 =	vld.idx.msk [tilespmem:v3+s3+$0x0], $0xffff  }
0x1d1: {  	v0 =	vld.idx.msk [tilespmem:v4+s3+$0x0], $0xffff  }
0x1d2: {  	s26 =	simm.s32 $0x1C740;
	v1 =	vld.idx.msk [tilespmem:v6+s3+$0x0], $0xffff  }
0x1d3: {  	v2 =	vld.idx.msk [tilespmem:v7+s3+$0x0], $0xffff;
	[tilespmem:s26+$0x30] =	vst v9  }
0x1d4: {  	s28 =	simm.s32 $0x0;
	s29 =	simm.s32 $0x1A7F0;
	v4 =	vld.idx.msk [tilespmem:v8+s3+$0x0], $0xffff;
	[tilespmem:s26+$0xFFFFFFD0] =	vst v10  }
.LBB2_44:
0x1d5: {  	v6 =	vld [tilespmem:s29+$0x0];
	s28 =	sadd.s32 $0x80, s28;
	[tilespmem:s26+$0xFFFFFFE0] =	vst v5  }
0x1d6: {  	v5 =	vld [tilespmem:s29+$0xFFFFFFA0];
	p0 =	slt.u32 s28, $0xF80;
	[tilespmem:s26+$0xFFFFFFF0] =	vst v3  }
0x1d7: {  	v3 =	vld [tilespmem:s29+$0xFFFFFFB0];
	[tilespmem:s26+$0x0] =	vst v0  }
0x1d8: {  	v0 =	vld [tilespmem:s29+$0xFFFFFFC0];
	[tilespmem:s26+$0x10] =	vst v1  }
0x1d9: {  	v1 =	vld [tilespmem:s29+$0xFFFFFFD0];
	[tilespmem:s26+$0x20] =	vst v2  }
0x1da: {  	v2 =	vld [tilespmem:s29+$0xFFFFFFE0];
	[tilespmem:s26+$0xFFFFFFC0] =	vst v4  }
0x1db: {  	v4 =	vld [tilespmem:s29+$0xFFFFFFF0]  }
0x1dc: {  	v7 =	vld [tilespmem:s29+$0xFFFFFF90]  }
0x1dd: {  	v6 =	vld.idx.msk [tilespmem:v6+s3+$0x0], $0xffff  }
0x1de: {  	v8 =	vld.idx.msk [tilespmem:v5+s3+$0x0], $0xffff  }
0x1df: {  	v5 =	vld.idx.msk [tilespmem:v3+s3+$0x0], $0xffff  }
.Ltmp21:
0x1e0: {  	v3 =	vld.idx.msk [tilespmem:v0+s3+$0x0], $0xffff;
	(pc) =	sbr.rel @p0 .LBB2_44-.Ltmp21, $4  }
0x1e1: {  	v0 =	vld.idx.msk [tilespmem:v1+s3+$0x0], $0xffff  }
0x1e2: {  	s26 =	sadd.s32 $0x100, s26;
	v1 =	vld.idx.msk [tilespmem:v2+s3+$0x0], $0xffff  }
0x1e3: {  	v2 =	vld.idx.msk [tilespmem:v4+s3+$0x0], $0xffff;
	[tilespmem:s26+$0x30] =	vst v6  }
0x1e4: {  	s29 =	sadd.s32 $0x80, s29;
	v4 =	vld.idx.msk [tilespmem:v7+s3+$0x0], $0xffff;
	[tilespmem:s26+$0xFFFFFFD0] =	vst v8  }
0x1e5: {  	[tilespmem:s26+$0xFFFFFFE0] =	vst v5  }
0x1e6: {  	[tilespmem:s26+$0xFFFFFFF0] =	vst v3  }
0x1e7: {  	[tilespmem:s26+$0x0] =	vst v0  }
0x1e8: {  	[tilespmem:s26+$0x10] =	vst v1  }
0x1e9: {  	s28 =	simm.s32 $0x1C700;
	[tilespmem:s26+$0x20] =	vst v2  }
0x1ea: {  	s30 =	sadd.s32 $0x0, s22;
	s29 =	simm.s32 $0x1C800;
	[tilespmem:s26+$0xFFFFFFC0] =	vst v4;
	s26 =	simm.s32 $0x80  }
.LBB2_46:
0x1eb: {  	[hbm4b:s30+s3] =	stream.linear.scatter [tilespmem:s28], [sflag:$0x4], $0x80, $0x38;
	[tilespmem:$0x1EB00] =	vst v63  }
0x1ec: {  	s30 =	smov.u32 s26;
	s28 =	smov.u32 s29;
	p0 =	sne.s32 s26, $0xF80  }
.Ltmp22:
0x1ed: {  	s26 =	sadd.s32 $0x80, s26;
	(pc) =	sbr.rel @p0 .LBB2_46-.Ltmp22, $2  }
0x1ee: {  	_ =	sdelay $0x2  }
0x1ef: {  	s29 =	sadd.s32 $0x100, s29;
	s30 =	sadd.s32 s30, s22  }
0x1f0: {  	[hbm4b:s30+s3] =	stream.linear.scatter [tilespmem:s28], [sflag:$0x4], $0x80, $0x38;
	[tilespmem:$0x1EB00] =	vst v63  }
0x1f1: {  	_ =	swait.ge [sflag:s24], $0x1000  }
0x1f2: {  	[sflag:s24] =	ssyncset.done $0x0  }
0x1f3: {  	s26 =	simm.s32 $0x1B770;
	[sflag:s24] =	ssyncadd.s32 $0xFFFFF000  }
0x1f4: {  	v0 =	vld [tilespmem:s26+$0x0]  }
0x1f5: {  	v1 =	vld [tilespmem:s26+$0xFFFFFFA0]  }
0x1f6: {  	v2 =	vld [tilespmem:s26+$0xFFFFFFB0]  }
0x1f7: {  	v3 =	vld [tilespmem:s26+$0xFFFFFFC0]  }
0x1f8: {  	v4 =	vld [tilespmem:s26+$0xFFFFFFD0]  }
0x1f9: {  	v6 =	vld [tilespmem:s26+$0xFFFFFFE0]  }
0x1fa: {  	v7 =	vld [tilespmem:s26+$0xFFFFFFF0]  }
0x1fb: {  	v8 =	vld [tilespmem:s26+$0xFFFFFF90]  }
0x1fc: {  	v9 =	vld.idx.msk [tilespmem:v0+s3+$0x0], $0xffff  }
0x1fd: {  	v10 =	vld.idx.msk [tilespmem:v1+s3+$0x0], $0xffff  }
0x1fe: {  	v5 =	vld.idx.msk [tilespmem:v2+s3+$0x0], $0xffff  }
0x1ff: {  	v3 =	vld.idx.msk [tilespmem:v3+s3+$0x0], $0xffff  }
0x200: {  	v0 =	vld.idx.msk [tilespmem:v4+s3+$0x0], $0xffff  }
0x201: {  	s26 =	simm.s32 $0x1C7F0;
	v1 =	vld.idx.msk [tilespmem:v6+s3+$0x0], $0xffff  }
0x202: {  	v2 =	vld.idx.msk [tilespmem:v7+s3+$0x0], $0xffff;
	[tilespmem:s26+$0x0] =	vst v9  }
0x203: {  	s28 =	simm.s32 $0x0;
	s29 =	simm.s32 $0x1B7F0;
	v4 =	vld.idx.msk [tilespmem:v8+s3+$0x0], $0xffff;
	[tilespmem:s26+$0xFFFFFFA0] =	vst v10  }
.LBB2_48:
0x204: {  	v6 =	vld [tilespmem:s29+$0x0];
	s28 =	sadd.s32 $0x80, s28;
	[tilespmem:s26+$0xFFFFFFB0] =	vst v5  }
0x205: {  	v5 =	vld [tilespmem:s29+$0xFFFFFFA0];
	p0 =	slt.u32 s28, $0xF80;
	[tilespmem:s26+$0xFFFFFFC0] =	vst v3  }
0x206: {  	v3 =	vld [tilespmem:s29+$0xFFFFFFB0];
	[tilespmem:s26+$0xFFFFFFD0] =	vst v0  }
0x207: {  	v0 =	vld [tilespmem:s29+$0xFFFFFFC0];
	[tilespmem:s26+$0xFFFFFFE0] =	vst v1  }
0x208: {  	v1 =	vld [tilespmem:s29+$0xFFFFFFD0];
	[tilespmem:s26+$0xFFFFFFF0] =	vst v2  }
0x209: {  	v2 =	vld [tilespmem:s29+$0xFFFFFFE0];
	[tilespmem:s26+$0xFFFFFF90] =	vst v4  }
0x20a: {  	v4 =	vld [tilespmem:s29+$0xFFFFFFF0]  }
0x20b: {  	v7 =	vld [tilespmem:s29+$0xFFFFFF90]  }
0x20c: {  	v6 =	vld.idx.msk [tilespmem:v6+s3+$0x0], $0xffff  }
0x20d: {  	v8 =	vld.idx.msk [tilespmem:v5+s3+$0x0], $0xffff  }
0x20e: {  	v5 =	vld.idx.msk [tilespmem:v3+s3+$0x0], $0xffff  }
.Ltmp23:
0x20f: {  	v3 =	vld.idx.msk [tilespmem:v0+s3+$0x0], $0xffff;
	(pc) =	sbr.rel @p0 .LBB2_48-.Ltmp23, $4  }
0x210: {  	v0 =	vld.idx.msk [tilespmem:v1+s3+$0x0], $0xffff  }
0x211: {  	s26 =	sadd.s32 $0x100, s26;
	v1 =	vld.idx.msk [tilespmem:v2+s3+$0x0], $0xffff  }
0x212: {  	v2 =	vld.idx.msk [tilespmem:v4+s3+$0x0], $0xffff;
	[tilespmem:s26+$0x0] =	vst v6  }
0x213: {  	s29 =	sadd.s32 $0x80, s29;
	v4 =	vld.idx.msk [tilespmem:v7+s3+$0x0], $0xffff;
	[tilespmem:s26+$0xFFFFFFA0] =	vst v8  }
0x214: {  	[tilespmem:s26+$0xFFFFFFB0] =	vst v5  }
0x215: {  	[tilespmem:s26+$0xFFFFFFC0] =	vst v3  }
0x216: {  	[tilespmem:s26+$0xFFFFFFD0] =	vst v0  }
0x217: {  	[tilespmem:s26+$0xFFFFFFE0] =	vst v1  }
0x218: {  	s28 =	simm.s32 $0x1C780;
	[tilespmem:s26+$0xFFFFFFF0] =	vst v2  }
0x219: {  	s30 =	sadd.s32 $0x0, s23;
	s29 =	simm.s32 $0x1C880;
	[tilespmem:s26+$0xFFFFFF90] =	vst v4;
	s26 =	simm.s32 $0x80  }
.LBB2_50:
0x21a: {  	[hbm4b:s30+s3] =	stream.linear.scatter [tilespmem:s28], [sflag:$0x5], $0x80, $0x38;
	[tilespmem:$0x1EB00] =	vst v63  }
0x21b: {  	s30 =	smov.u32 s26;
	s28 =	smov.u32 s29;
	p0 =	sne.s32 s26, $0xF80  }
.Ltmp24:
0x21c: {  	s26 =	sadd.s32 $0x80, s26;
	(pc) =	sbr.rel @p0 .LBB2_50-.Ltmp24, $2  }
0x21d: {  	_ =	sdelay $0x2  }
0x21e: {  	s29 =	sadd.s32 $0x100, s29;
	s30 =	sadd.s32 s30, s23  }
0x21f: {  	[hbm4b:s30+s3] =	stream.linear.scatter [tilespmem:s28], [sflag:$0x5], $0x80, $0x38;
	[tilespmem:$0x1EB00] =	vst v63  }
0x220: {  	_ =	swait.ge [sflag:s2], $0x1000  }
0x221: {  	[sflag:s2] =	ssyncset.done $0x0  }
0x222: {  	[sflag:s2] =	ssyncadd.s32 $0xFFFFF000  }
0x223: {  	_ =	swait.ge [sflag:s24], $0x1000  }
0x224: {  	s6 =	sadd.s32 $0x1, s6;
	s26 =	rddreg [dreg:$0x8]  }
0x225: {  	p0 =	sne.s32 s6, s26  }
.Ltmp25:
0x226: {  	_ = 	snop;
	(pc) =	sbr.rel @p0 .LBB2_1-.Ltmp25, $3  }
0x227: {  	_ =	sdelay $0x1  }
0x228: {  	[sflag:s24] =	ssyncset.done $0x0  }
0x229: {  	[sflag:s24] =	ssyncadd.s32 $0xFFFFF000  }
0x22a: {  	_ =	sfence.sel $0x180000  }
0x22b: {  	[bflag:$0x0] =	sbarrier.arrive $0xFFFF  }
0x22c: {  	_ =	strace $0x90000047  }
0x22d: {  	s0 =	stileid.u32;
	[bflag:$0x2] =	sbarrier.arrive $0xFFFF  }
0x22e: {  	p0 =	sne.s32 s0, $0x0;
	s0 =	rddreg [dreg:$0x4]  }
0x22f: {  	s0 =	sadd.s32 @!p0 $0x100000, s0  }
0x230: {  	[sflag:s0] =	ssyncadd.tile.s32 @!p0 $0x1;
	_ =	shalt  }
.Lfunc_end2:
_tile_overlayer_lowered:
.L_overlay_start_2:
0x231: {  	(tag) =	ssettag $0x2  }
0x232: {  	s0 =	rddreg [dreg:$0x0];
	s2 =	stileid.u32  }
0x233: {  	s1 =	rddreg [dreg:$0x1];
	p0 =	sne.s32 s2, $0x0  }
0x234: {  	s3 =	rddreg [dreg:$0x2];
	[bflag:$0x3] =	sbarrier.arrive $0xFFFF;
	s2 =	simm.s32 @!p0 $0x1C06  }
0x235: {  	[timem:s3], [sflag:s2] =	dma.local @!p0 [hbm:s0], s1  }
0x236: {  	s0 =	simm.s32 @!p0 $0x6  }
0x237: {  	_ =	swait.ge @!p0 [sflag:s0], s1  }
0x238: {  	s1 =	ssub.s32 @!p0 $0x0, s1;
	[sflag:s0] =	ssyncset.done @!p0 $0x0  }
0x239: {  	[sflag:s0] =	ssyncadd.s32 @!p0 s1  }
0x23a: {  	[bflag:$0x3] =	sbarrier.arrive $0xFFFF  }
0x23b: {  	_ =	shalt  }

</sc_bundles>
